<compile_context>
chip_gen: v7x
topology: tpu7x:2x2x1
jax: 0.10.2.dev20260603
libtpu: 0.0.44.dev20260713+nightly
codegen_flags: <defaults>
</compile_context>

<pallas_src>
import functools

import jax
import jax.numpy as jnp
from jax import lax
from jax.experimental import pallas as pl
from jax.experimental.pallas import tpu as pltpu
from jax.experimental.pallas import tpu_sc as plsc

N = 4608
K = 8192
D = 256
BN = 512
SUB = 256
LANES = 128


def _argmin_body(x_ref, cb_ref, xsq_ref, csq_ref, idx_ref):
    x = x_ref[...]
    cb2 = cb_ref[...]
    x_sq = xsq_ref[...]
    c_sq = csq_ref[...]

    vm = jnp.full((BN, LANES), jnp.inf, jnp.float32)
    vi = jnp.zeros((BN, LANES), jnp.int32)
    for gs in range(K // SUB):
        xc2 = lax.dot_general(x, cb2[gs * SUB:(gs + 1) * SUB, :],
                              (((1,), (1,)), ((), ())),
                              preferred_element_type=jnp.float32)
        d2 = (x_sq + xc2) + c_sq[:, gs * SUB:(gs + 1) * SUB]
        scores = d2 * lax.rsqrt(d2)
        for gg in range(SUB // LANES):
            g = gs * (SUB // LANES) + gg
            s = scores[:, gg * LANES:(gg + 1) * LANES]
            m = s < vm
            vm = jnp.where(m, s, vm)
            vi = jnp.where(m, jnp.full((BN, LANES), g, jnp.int32), vi)

    lane_iota = lax.broadcasted_iota(jnp.int32, (BN, LANES), 1)
    gm = jnp.min(vm, axis=1, keepdims=True)
    kfull = vi * LANES + lane_iota
    cand = jnp.where(vm <= gm, kfull, jnp.int32(K))
    idx_ref[...] = jnp.min(cand, axis=1, keepdims=True)


def _nearest_indices(x, codebook):
    x_sq = jnp.sum(x * x, axis=-1, keepdims=True)
    c_sq = jnp.sum(codebook * codebook, axis=-1)[None, :]
    codebook = -2.0 * codebook
    idx2 = pl.pallas_call(
        _argmin_body,
        grid=(N // BN,),
        in_specs=[
            pl.BlockSpec((BN, D), lambda i: (i, 0)),
            pl.BlockSpec((K, D), lambda i: (0, 0)),
            pl.BlockSpec((BN, 1), lambda i: (i, 0)),
            pl.BlockSpec((1, K), lambda i: (0, 0)),
        ],
        out_specs=pl.BlockSpec((BN, 1), lambda i: (i, 0)),
        out_shape=jax.ShapeDtypeStruct((N, 1), jnp.int32),
    )(x, codebook, x_sq, c_sq)
    return idx2.reshape(N)


def _make_sc_gather():
    info = plsc.get_sparse_core_info()
    nc, ns = info.num_cores, info.num_subcores
    nw = nc * ns
    bpw = N // nw
    mesh = plsc.VectorSubcoreMesh(core_axis_name="c", subcore_axis_name="s")

    @functools.partial(
        pl.kernel, mesh=mesh,
        out_type=jax.ShapeDtypeStruct((N, D), jnp.float32),
        scratch_types=[
            pltpu.VMEM((bpw,), jnp.int32),
            pltpu.VMEM((bpw, D), jnp.float32),
            pltpu.SemaphoreType.DMA,
        ],
    )
    def gather_k(table_hbm, idx_hbm, out_hbm, idx_v, rows_v, sem):
        wid = lax.axis_index("s") * nc + lax.axis_index("c")
        base = wid * bpw
        pltpu.sync_copy(idx_hbm.at[pl.ds(base, bpw)], idx_v)
        pltpu.async_copy(table_hbm.at[idx_v], rows_v, sem).wait()
        pltpu.sync_copy(rows_v, out_hbm.at[pl.ds(base, bpw)])

    return gather_k


def kernel(x, codebook, embed_table):
    indices = _nearest_indices(x, codebook)
    return _make_sc_gather()(embed_table, indices)

# --- scband reference (transcript-rebuilt; emitter-appended) ---
"""Pipeline reference for scband-audio-quantizer-40003325395701 (READ-ONLY COPY).

The authoritative reference and input builder live on the scoring server;
editing this copy changes nothing except your own understanding.
"""

import jax, jax.numpy as jnp
import numpy as np

N = 4608
K = 8192
D = 256

def setup_inputs(seed: int = 0) -> dict:
    key = jax.random.key(seed)
    k1, k2, k3 = jax.random.split(key, 3)
    x = jax.random.normal(k1, (N, D), dtype=jnp.float32)
    # self.codebook: nn.initializers.normal() -> stddev=0.01
    codebook = 0.01 * jax.random.normal(k2, (K, D), dtype=jnp.float32)
    # nn.Embed default init ~ variance_scaling(1.0, 'fan_in', 'normal') over embedding rows
    embed_table = jax.random.normal(k3, (K, D), dtype=jnp.float32) / jnp.sqrt(jnp.float32(D))
    return {"x": x, "codebook": codebook, "embed_table": embed_table}

def reference(x, codebook, embed_table):
    # distances = ||x[:,None] - codebook[None,:]||_2 along last axis,
    # computed via the algebraically-equivalent expanded form to avoid
    # materializing the [N, K, D] broadcast tensor.
    x_sq = jnp.sum(x * x, axis=-1, keepdims=True)            # [N, 1]
    c_sq = jnp.sum(codebook * codebook, axis=-1)[None, :]    # [1, K]
    d2 = x_sq - 2.0 * (x @ codebook.T) + c_sq                # [N, K]
    distances = jnp.sqrt(jnp.maximum(d2, 0.0))
    indices = jnp.argmin(distances, axis=-1)                 # [N]
    out = jnp.take(embed_table, indices, axis=0)             # embedding lookup
    return out

if __name__ == "__main__":
    import jax
    _d = setup_inputs()
    print(jax.jit(kernel)(*tuple(_d.values())))

</pallas_src>

<mosaic_0001>
#map = affine_map<(d0, d1) -> (0, 0)>
#map1 = affine_map<(d0, d1) -> (0)>
module attributes {stable_mosaic.version = 14 : i64} {
  func.func @gather_k(%arg0: i32, %arg1: i32, %arg2: memref<8192x256xf32, #tpu.memory_space<hbm>>, %arg3: memref<4608xi32, #tpu.memory_space<hbm>>, %arg4: memref<4608x256xf32, #tpu.memory_space<hbm>>, %arg5: memref<144xi32, #tpu.memory_space<vmem>>, %arg6: memref<144x256xf32, #tpu.memory_space<vmem>>, %arg7: memref<!tpu.dma_semaphore, #tpu.memory_space<semaphore_mem>>) attributes {dimension_semantics = [#tpu.dimension_semantics<core_parallel>, #tpu.dimension_semantics<subcore_parallel>], iteration_bounds = array<i64: 2, 16>, scalar_prefetch = 0 : i64, scratch_operands = 3 : i64, tpu.core_type = #tpu.core_type<sc_vector_subcore>, window_params = [{transform_indices = #map}, {transform_indices = #map1}, {transform_indices = #map}]} {
    %mul3A = arith.constant 2 : i32
    %mul3A_0 = arith.muli %arg1, %mul3A : i32
    %add3A = arith.addi %mul3A_0, %arg0 : i32
    %mul3A_1 = arith.constant 144 : i32
    %mul3A_2 = arith.muli %add3A, %mul3A_1 : i32
    "tpu.region"() ({
      %run_scoped3A = tpu.sem_alloc : memref<!tpu.dma_semaphore, #tpu.memory_space<semaphore_mem>>
      %dma_start3A_7 = tpu.memref_slice %arg3[%mul3A_2] : memref<4608xi32, #tpu.memory_space<hbm>> -> memref<144xi32, #tpu.memory_space<hbm>>
      %dma_start3A_8 = tpu.memref_slice %arg3[%mul3A_2] : memref<4608xi32, #tpu.memory_space<hbm>> -> memref<144xi32, #tpu.memory_space<hbm>>
      tpu.enqueue_dma source(%dma_start3A_8 : memref<144xi32, #tpu.memory_space<hbm>>) target(%arg5 : memref<144xi32, #tpu.memory_space<vmem>>) target_semaphore(%run_scoped3A : memref<!tpu.dma_semaphore, #tpu.memory_space<semaphore_mem>>)
      %dma_wait3A_9 = tpu.memref_slice %arg3[%mul3A_2] : memref<4608xi32, #tpu.memory_space<hbm>> -> memref<144xi32, #tpu.memory_space<hbm>>
      %dma_wait3A_10 = tpu.memref_slice %arg3[%mul3A_2] : memref<4608xi32, #tpu.memory_space<hbm>> -> memref<144xi32, #tpu.memory_space<hbm>>
      tpu.wait_dma2 semaphore(%run_scoped3A : memref<!tpu.dma_semaphore, #tpu.memory_space<semaphore_mem>>) src(%dma_wait3A_10 : memref<144xi32, #tpu.memory_space<hbm>>) dst(%arg5 : memref<144xi32, #tpu.memory_space<vmem>>)
      tpu.yield
    }) : () -> ()
    %dma_start3A = arith.constant 0 : i32
    %dma_start3A_3 = arith.constant 0 : i32
    %dma_start3A_4 = tpu.memref_slice %arg2[%dma_start3A, %dma_start3A_3] : memref<8192x256xf32, #tpu.memory_space<hbm>> -> memref<8192x256xf32, #tpu.memory_space<hbm>>
    tpu.enqueue_indirect_dma source(%dma_start3A_4 : memref<8192x256xf32, #tpu.memory_space<hbm>>) target(%arg6 : memref<144x256xf32, #tpu.memory_space<vmem>>) offsets(%arg5 : memref<144xi32, #tpu.memory_space<vmem>>) semaphore(%arg7 : memref<!tpu.dma_semaphore, #tpu.memory_space<semaphore_mem>>)
    %dma_wait3A = arith.constant 0 : i32
    %dma_wait3A_5 = arith.constant 0 : i32
    %dma_wait3A_6 = tpu.memref_slice %arg2[%dma_wait3A, %dma_wait3A_5] : memref<8192x256xf32, #tpu.memory_space<hbm>> -> memref<8192x256xf32, #tpu.memory_space<hbm>>
    tpu.wait_indirect_dma semaphore(%arg7 : memref<!tpu.dma_semaphore, #tpu.memory_space<semaphore_mem>>) src(%dma_wait3A_6 : memref<8192x256xf32, #tpu.memory_space<hbm>>) dst(%arg6 : memref<144x256xf32, #tpu.memory_space<vmem>>)
    "tpu.region"() ({
      %run_scoped3A = tpu.sem_alloc : memref<!tpu.dma_semaphore, #tpu.memory_space<semaphore_mem>>
      %dma_start3A_7 = arith.constant 0 : i32
      %dma_start3A_8 = tpu.memref_slice %arg4[%mul3A_2, %dma_start3A_7] : memref<4608x256xf32, #tpu.memory_space<hbm>> -> memref<144x256xf32, #tpu.memory_space<hbm>>
      %dma_start3A_9 = arith.constant 0 : i32
      %dma_start3A_10 = tpu.memref_slice %arg4[%mul3A_2, %dma_start3A_9] : memref<4608x256xf32, #tpu.memory_space<hbm>> -> memref<144x256xf32, #tpu.memory_space<hbm>>
      tpu.enqueue_dma source(%arg6 : memref<144x256xf32, #tpu.memory_space<vmem>>) target(%dma_start3A_10 : memref<144x256xf32, #tpu.memory_space<hbm>>) target_semaphore(%run_scoped3A : memref<!tpu.dma_semaphore, #tpu.memory_space<semaphore_mem>>)
      %dma_wait3A_11 = arith.constant 0 : i32
      %dma_wait3A_12 = tpu.memref_slice %arg4[%mul3A_2, %dma_wait3A_11] : memref<4608x256xf32, #tpu.memory_space<hbm>> -> memref<144x256xf32, #tpu.memory_space<hbm>>
      %dma_wait3A_13 = arith.constant 0 : i32
      %dma_wait3A_14 = tpu.memref_slice %arg4[%mul3A_2, %dma_wait3A_13] : memref<4608x256xf32, #tpu.memory_space<hbm>> -> memref<144x256xf32, #tpu.memory_space<hbm>>
      tpu.wait_dma2 semaphore(%run_scoped3A : memref<!tpu.dma_semaphore, #tpu.memory_space<semaphore_mem>>) src(%arg6 : memref<144x256xf32, #tpu.memory_space<vmem>>) dst(%dma_wait3A_14 : memref<144x256xf32, #tpu.memory_space<hbm>>)
      tpu.yield
    }) : () -> ()
    return
  }
}

module attributes {stable_mosaic.version = 14 : i64} {
  func.func @_argmin_body(%arg0: i32, %arg1: memref<512x256xf32, #tpu.memory_space<vmem>>, %arg2: memref<8192x256xf32, #tpu.memory_space<vmem>>, %arg3: memref<512x1xf32, #tpu.memory_space<vmem>>, %arg4: memref<1x8192xf32, #tpu.memory_space<vmem>>, %arg5: memref<512x1xi32, #tpu.memory_space<vmem>>) attributes {dimension_semantics = [#tpu.dimension_semantics<arbitrary>], iteration_bounds = array<i64: 9>, scalar_prefetch = 0 : i64, scratch_operands = 0 : i64, tpu.core_type = #tpu.core_type<tc>, window_params = [{transform_indices = @transform_0, window_bounds = array<i64: 512, 256>}, {pipeline_mode = #tpu.pipeline_mode<synchronous>, transform_indices = @transform_1, window_bounds = array<i64: 8192, 256>}, {transform_indices = @transform_2, window_bounds = array<i64: 512, 1>}, {pipeline_mode = #tpu.pipeline_mode<synchronous>, transform_indices = @transform_3, window_bounds = array<i64: 1, 8192>}, {transform_indices = @transform_4, window_bounds = array<i64: 512, 1>}]} {
    %get3A = arith.constant 0 : index
    %get3A_0 = arith.constant 0 : index
    %get3A_1 = vector.load %arg1[%get3A, %get3A_0] : memref<512x256xf32, #tpu.memory_space<vmem>>, vector<512x256xf32>
    %get3A_2 = arith.constant 0 : index
    %get3A_3 = arith.constant 0 : index
    %get3A_4 = vector.load %arg2[%get3A_2, %get3A_3] : memref<8192x256xf32, #tpu.memory_space<vmem>>, vector<8192x256xf32>
    %get3A_5 = arith.constant 0 : index
    %get3A_6 = arith.constant 0 : index
    %get3A_7 = vector.load %arg3[%get3A_5, %get3A_6] : memref<512x1xf32, #tpu.memory_space<vmem>>, vector<512x1xf32>
    %get3A_8 = arith.constant 0 : index
    %get3A_9 = arith.constant 0 : index
    %get3A_10 = vector.load %arg4[%get3A_8, %get3A_9] : memref<1x8192xf32, #tpu.memory_space<vmem>>, vector<1x8192xf32>
    %broadcast_in_dim3A = arith.constant 0x7F800000 : f32
    %broadcast_in_dim3A_11 = vector.broadcast %broadcast_in_dim3A : f32 to vector<512x128xf32>
    %broadcast_in_dim3A_12 = arith.constant 0 : i32
    %broadcast_in_dim3A_13 = vector.broadcast %broadcast_in_dim3A_12 : i32 to vector<512x128xi32>
    %slice3A = vector.extract_strided_slice %get3A_4 {offsets = [0, 0], sizes = [256, 256], strides = [1, 1]} : vector<8192x256xf32> to vector<256x256xf32>
    %dot_general3A = arith.constant dense<0.000000e+00> : vector<512x256xf32>
    %dot_general3A_14 = tpu.matmul %get3A_1, %slice3A, %dot_general3A {dimension_numbers = #tpu.dot_dimension_numbers<[1], [1], [0], [0], [0, 0, 1, 0], [], []>, transpose_lhs_hint = false} : vector<512x256xf32>, vector<256x256xf32>, vector<512x256xf32> -> vector<512x256xf32>
    %add3A = vector.broadcast %get3A_7 : vector<512x1xf32> to vector<512x256xf32>
    %add3A_15 = arith.addf %add3A, %dot_general3A_14 : vector<512x256xf32>
    %slice3A_16 = vector.extract_strided_slice %get3A_10 {offsets = [0, 0], sizes = [1, 256], strides = [1, 1]} : vector<1x8192xf32> to vector<1x256xf32>
    %add3A_17 = vector.broadcast %slice3A_16 : vector<1x256xf32> to vector<512x256xf32>
    %add3A_18 = arith.addf %add3A_15, %add3A_17 : vector<512x256xf32>
    %rsqrt3A = math.rsqrt %add3A_18 : vector<512x256xf32>
    %mul3A = arith.mulf %add3A_18, %rsqrt3A : vector<512x256xf32>
    %slice3A_19 = vector.extract_strided_slice %mul3A {offsets = [0, 0], sizes = [512, 128], strides = [1, 1]} : vector<512x256xf32> to vector<512x128xf32>
    %lt3A = arith.cmpf olt, %slice3A_19, %broadcast_in_dim3A_11 : vector<512x128xf32>
    %select_n3A = arith.select %lt3A, %slice3A_19, %broadcast_in_dim3A_11 : vector<512x128xi1>, vector<512x128xf32>
    %broadcast_in_dim3A_20 = arith.constant 0 : i32
    %broadcast_in_dim3A_21 = vector.broadcast %broadcast_in_dim3A_20 : i32 to vector<512x128xi32>
    %select_n3A_22 = arith.select %lt3A, %broadcast_in_dim3A_21, %broadcast_in_dim3A_13 : vector<512x128xi1>, vector<512x128xi32>
    %slice3A_23 = vector.extract_strided_slice %mul3A {offsets = [0, 128], sizes = [512, 128], strides = [1, 1]} : vector<512x256xf32> to vector<512x128xf32>
    %lt3A_24 = arith.cmpf olt, %slice3A_23, %select_n3A : vector<512x128xf32>
    %select_n3A_25 = arith.select %lt3A_24, %slice3A_23, %select_n3A : vector<512x128xi1>, vector<512x128xf32>
    %broadcast_in_dim3A_26 = arith.constant 1 : i32
    %broadcast_in_dim3A_27 = vector.broadcast %broadcast_in_dim3A_26 : i32 to vector<512x128xi32>
    %select_n3A_28 = arith.select %lt3A_24, %broadcast_in_dim3A_27, %select_n3A_22 : vector<512x128xi1>, vector<512x128xi32>
    %slice3A_29 = vector.extract_strided_slice %get3A_4 {offsets = [256, 0], sizes = [256, 256], strides = [1, 1]} : vector<8192x256xf32> to vector<256x256xf32>
    %dot_general3A_30 = arith.constant dense<0.000000e+00> : vector<512x256xf32>
    %dot_general3A_31 = tpu.matmul %get3A_1, %slice3A_29, %dot_general3A_30 {dimension_numbers = #tpu.dot_dimension_numbers<[1], [1], [0], [0], [0, 0, 1, 0], [], []>, transpose_lhs_hint = false} : vector<512x256xf32>, vector<256x256xf32>, vector<512x256xf32> -> vector<512x256xf32>
    %add3A_32 = vector.broadcast %get3A_7 : vector<512x1xf32> to vector<512x256xf32>
    %add3A_33 = arith.addf %add3A_32, %dot_general3A_31 : vector<512x256xf32>
    %slice3A_34 = vector.extract_strided_slice %get3A_10 {offsets = [0, 256], sizes = [1, 256], strides = [1, 1]} : vector<1x8192xf32> to vector<1x256xf32>
    %add3A_35 = vector.broadcast %slice3A_34 : vector<1x256xf32> to vector<512x256xf32>
    %add3A_36 = arith.addf %add3A_33, %add3A_35 : vector<512x256xf32>
    %rsqrt3A_37 = math.rsqrt %add3A_36 : vector<512x256xf32>
    %mul3A_38 = arith.mulf %add3A_36, %rsqrt3A_37 : vector<512x256xf32>
    %slice3A_39 = vector.extract_strided_slice %mul3A_38 {offsets = [0, 0], sizes = [512, 128], strides = [1, 1]} : vector<512x256xf32> to vector<512x128xf32>
    %lt3A_40 = arith.cmpf olt, %slice3A_39, %select_n3A_25 : vector<512x128xf32>
    %select_n3A_41 = arith.select %lt3A_40, %slice3A_39, %select_n3A_25 : vector<512x128xi1>, vector<512x128xf32>
    %broadcast_in_dim3A_42 = arith.constant 2 : i32
    %broadcast_in_dim3A_43 = vector.broadcast %broadcast_in_dim3A_42 : i32 to vector<512x128xi32>
    %select_n3A_44 = arith.select %lt3A_40, %broadcast_in_dim3A_43, %select_n3A_28 : vector<512x128xi1>, vector<512x128xi32>
    %slice3A_45 = vector.extract_strided_slice %mul3A_38 {offsets = [0, 128], sizes = [512, 128], strides = [1, 1]} : vector<512x256xf32> to vector<512x128xf32>
    %lt3A_46 = arith.cmpf olt, %slice3A_45, %select_n3A_41 : vector<512x128xf32>
    %select_n3A_47 = arith.select %lt3A_46, %slice3A_45, %select_n3A_41 : vector<512x128xi1>, vector<512x128xf32>
    %broadcast_in_dim3A_48 = arith.constant 3 : i32
    %broadcast_in_dim3A_49 = vector.broadcast %broadcast_in_dim3A_48 : i32 to vector<512x128xi32>
    %select_n3A_50 = arith.select %lt3A_46, %broadcast_in_dim3A_49, %select_n3A_44 : vector<512x128xi1>, vector<512x128xi32>
    %slice3A_51 = vector.extract_strided_slice %get3A_4 {offsets = [512, 0], sizes = [256, 256], strides = [1, 1]} : vector<8192x256xf32> to vector<256x256xf32>
    %dot_general3A_52 = arith.constant dense<0.000000e+00> : vector<512x256xf32>
    %dot_general3A_53 = tpu.matmul %get3A_1, %slice3A_51, %dot_general3A_52 {dimension_numbers = #tpu.dot_dimension_numbers<[1], [1], [0], [0], [0, 0, 1, 0], [], []>, transpose_lhs_hint = false} : vector<512x256xf32>, vector<256x256xf32>, vector<512x256xf32> -> vector<512x256xf32>
    %add3A_54 = vector.broadcast %get3A_7 : vector<512x1xf32> to vector<512x256xf32>
    %add3A_55 = arith.addf %add3A_54, %dot_general3A_53 : vector<512x256xf32>
    %slice3A_56 = vector.extract_strided_slice %get3A_10 {offsets = [0, 512], sizes = [1, 256], strides = [1, 1]} : vector<1x8192xf32> to vector<1x256xf32>
    %add3A_57 = vector.broadcast %slice3A_56 : vector<1x256xf32> to vector<512x256xf32>
    %add3A_58 = arith.addf %add3A_55, %add3A_57 : vector<512x256xf32>
    %rsqrt3A_59 = math.rsqrt %add3A_58 : vector<512x256xf32>
    %mul3A_60 = arith.mulf %add3A_58, %rsqrt3A_59 : vector<512x256xf32>
    %slice3A_61 = vector.extract_strided_slice %mul3A_60 {offsets = [0, 0], sizes = [512, 128], strides = [1, 1]} : vector<512x256xf32> to vector<512x128xf32>
    %lt3A_62 = arith.cmpf olt, %slice3A_61, %select_n3A_47 : vector<512x128xf32>
    %select_n3A_63 = arith.select %lt3A_62, %slice3A_61, %select_n3A_47 : vector<512x128xi1>, vector<512x128xf32>
    %broadcast_in_dim3A_64 = arith.constant 4 : i32
    %broadcast_in_dim3A_65 = vector.broadcast %broadcast_in_dim3A_64 : i32 to vector<512x128xi32>
    %select_n3A_66 = arith.select %lt3A_62, %broadcast_in_dim3A_65, %select_n3A_50 : vector<512x128xi1>, vector<512x128xi32>
    %slice3A_67 = vector.extract_strided_slice %mul3A_60 {offsets = [0, 128], sizes = [512, 128], strides = [1, 1]} : vector<512x256xf32> to vector<512x128xf32>
    %lt3A_68 = arith.cmpf olt, %slice3A_67, %select_n3A_63 : vector<512x128xf32>
    %select_n3A_69 = arith.select %lt3A_68, %slice3A_67, %select_n3A_63 : vector<512x128xi1>, vector<512x128xf32>
    %broadcast_in_dim3A_70 = arith.constant 5 : i32
    %broadcast_in_dim3A_71 = vector.broadcast %broadcast_in_dim3A_70 : i32 to vector<512x128xi32>
    %select_n3A_72 = arith.select %lt3A_68, %broadcast_in_dim3A_71, %select_n3A_66 : vector<512x128xi1>, vector<512x128xi32>
    %slice3A_73 = vector.extract_strided_slice %get3A_4 {offsets = [768, 0], sizes = [256, 256], strides = [1, 1]} : vector<8192x256xf32> to vector<256x256xf32>
    %dot_general3A_74 = arith.constant dense<0.000000e+00> : vector<512x256xf32>
    %dot_general3A_75 = tpu.matmul %get3A_1, %slice3A_73, %dot_general3A_74 {dimension_numbers = #tpu.dot_dimension_numbers<[1], [1], [0], [0], [0, 0, 1, 0], [], []>, transpose_lhs_hint = false} : vector<512x256xf32>, vector<256x256xf32>, vector<512x256xf32> -> vector<512x256xf32>
    %add3A_76 = vector.broadcast %get3A_7 : vector<512x1xf32> to vector<512x256xf32>
    %add3A_77 = arith.addf %add3A_76, %dot_general3A_75 : vector<512x256xf32>
    %slice3A_78 = vector.extract_strided_slice %get3A_10 {offsets = [0, 768], sizes = [1, 256], strides = [1, 1]} : vector<1x8192xf32> to vector<1x256xf32>
    %add3A_79 = vector.broadcast %slice3A_78 : vector<1x256xf32> to vector<512x256xf32>
    %add3A_80 = arith.addf %add3A_77, %add3A_79 : vector<512x256xf32>
    %rsqrt3A_81 = math.rsqrt %add3A_80 : vector<512x256xf32>
    %mul3A_82 = arith.mulf %add3A_80, %rsqrt3A_81 : vector<512x256xf32>
    %slice3A_83 = vector.extract_strided_slice %mul3A_82 {offsets = [0, 0], sizes = [512, 128], strides = [1, 1]} : vector<512x256xf32> to vector<512x128xf32>
    %lt3A_84 = arith.cmpf olt, %slice3A_83, %select_n3A_69 : vector<512x128xf32>
    %select_n3A_85 = arith.select %lt3A_84, %slice3A_83, %select_n3A_69 : vector<512x128xi1>, vector<512x128xf32>
    %broadcast_in_dim3A_86 = arith.constant 6 : i32
    %broadcast_in_dim3A_87 = vector.broadcast %broadcast_in_dim3A_86 : i32 to vector<512x128xi32>
    %select_n3A_88 = arith.select %lt3A_84, %broadcast_in_dim3A_87, %select_n3A_72 : vector<512x128xi1>, vector<512x128xi32>
    %slice3A_89 = vector.extract_strided_slice %mul3A_82 {offsets = [0, 128], sizes = [512, 128], strides = [1, 1]} : vector<512x256xf32> to vector<512x128xf32>
    %lt3A_90 = arith.cmpf olt, %slice3A_89, %select_n3A_85 : vector<512x128xf32>
    %select_n3A_91 = arith.select %lt3A_90, %slice3A_89, %select_n3A_85 : vector<512x128xi1>, vector<512x128xf32>
    %broadcast_in_dim3A_92 = arith.constant 7 : i32
    %broadcast_in_dim3A_93 = vector.broadcast %broadcast_in_dim3A_92 : i32 to vector<512x128xi32>
    %select_n3A_94 = arith.select %lt3A_90, %broadcast_in_dim3A_93, %select_n3A_88 : vector<512x128xi1>, vector<512x128xi32>
    %slice3A_95 = vector.extract_strided_slice %get3A_4 {offsets = [1024, 0], sizes = [256, 256], strides = [1, 1]} : vector<8192x256xf32> to vector<256x256xf32>
    %dot_general3A_96 = arith.constant dense<0.000000e+00> : vector<512x256xf32>
    %dot_general3A_97 = tpu.matmul %get3A_1, %slice3A_95, %dot_general3A_96 {dimension_numbers = #tpu.dot_dimension_numbers<[1], [1], [0], [0], [0, 0, 1, 0], [], []>, transpose_lhs_hint = false} : vector<512x256xf32>, vector<256x256xf32>, vector<512x256xf32> -> vector<512x256xf32>
    %add3A_98 = vector.broadcast %get3A_7 : vector<512x1xf32> to vector<512x256xf32>
    %add3A_99 = arith.addf %add3A_98, %dot_general3A_97 : vector<512x256xf32>
    %slice3A_100 = vector.extract_strided_slice %get3A_10 {offsets = [0, 1024], sizes = [1, 256], strides = [1, 1]} : vector<1x8192xf32> to vector<1x256xf32>
    %add3A_101 = vector.broadcast %slice3A_100 : vector<1x256xf32> to vector<512x256xf32>
    %add3A_102 = arith.addf %add3A_99, %add3A_101 : vector<512x256xf32>
    %rsqrt3A_103 = math.rsqrt %add3A_102 : vector<512x256xf32>
    %mul3A_104 = arith.mulf %add3A_102, %rsqrt3A_103 : vector<512x256xf32>
    %slice3A_105 = vector.extract_strided_slice %mul3A_104 {offsets = [0, 0], sizes = [512, 128], strides = [1, 1]} : vector<512x256xf32> to vector<512x128xf32>
    %lt3A_106 = arith.cmpf olt, %slice3A_105, %select_n3A_91 : vector<512x128xf32>
    %select_n3A_107 = arith.select %lt3A_106, %slice3A_105, %select_n3A_91 : vector<512x128xi1>, vector<512x128xf32>
    %broadcast_in_dim3A_108 = arith.constant 8 : i32
    %broadcast_in_dim3A_109 = vector.broadcast %broadcast_in_dim3A_108 : i32 to vector<512x128xi32>
    %select_n3A_110 = arith.select %lt3A_106, %broadcast_in_dim3A_109, %select_n3A_94 : vector<512x128xi1>, vector<512x128xi32>
    %slice3A_111 = vector.extract_strided_slice %mul3A_104 {offsets = [0, 128], sizes = [512, 128], strides = [1, 1]} : vector<512x256xf32> to vector<512x128xf32>
    %lt3A_112 = arith.cmpf olt, %slice3A_111, %select_n3A_107 : vector<512x128xf32>
    %select_n3A_113 = arith.select %lt3A_112, %slice3A_111, %select_n3A_107 : vector<512x128xi1>, vector<512x128xf32>
    %broadcast_in_dim3A_114 = arith.constant 9 : i32
    %broadcast_in_dim3A_115 = vector.broadcast %broadcast_in_dim3A_114 : i32 to vector<512x128xi32>
    %select_n3A_116 = arith.select %lt3A_112, %broadcast_in_dim3A_115, %select_n3A_110 : vector<512x128xi1>, vector<512x128xi32>
    %slice3A_117 = vector.extract_strided_slice %get3A_4 {offsets = [1280, 0], sizes = [256, 256], strides = [1, 1]} : vector<8192x256xf32> to vector<256x256xf32>
    %dot_general3A_118 = arith.constant dense<0.000000e+00> : vector<512x256xf32>
    %dot_general3A_119 = tpu.matmul %get3A_1, %slice3A_117, %dot_general3A_118 {dimension_numbers = #tpu.dot_dimension_numbers<[1], [1], [0], [0], [0, 0, 1, 0], [], []>, transpose_lhs_hint = false} : vector<512x256xf32>, vector<256x256xf32>, vector<512x256xf32> -> vector<512x256xf32>
    %add3A_120 = vector.broadcast %get3A_7 : vector<512x1xf32> to vector<512x256xf32>
    %add3A_121 = arith.addf %add3A_120, %dot_general3A_119 : vector<512x256xf32>
    %slice3A_122 = vector.extract_strided_slice %get3A_10 {offsets = [0, 1280], sizes = [1, 256], strides = [1, 1]} : vector<1x8192xf32> to vector<1x256xf32>
    %add3A_123 = vector.broadcast %slice3A_122 : vector<1x256xf32> to vector<512x256xf32>
    %add3A_124 = arith.addf %add3A_121, %add3A_123 : vector<512x256xf32>
    %rsqrt3A_125 = math.rsqrt %add3A_124 : vector<512x256xf32>
    %mul3A_126 = arith.mulf %add3A_124, %rsqrt3A_125 : vector<512x256xf32>
    %slice3A_127 = vector.extract_strided_slice %mul3A_126 {offsets = [0, 0], sizes = [512, 128], strides = [1, 1]} : vector<512x256xf32> to vector<512x128xf32>
    %lt3A_128 = arith.cmpf olt, %slice3A_127, %select_n3A_113 : vector<512x128xf32>
    %select_n3A_129 = arith.select %lt3A_128, %slice3A_127, %select_n3A_113 : vector<512x128xi1>, vector<512x128xf32>
    %broadcast_in_dim3A_130 = arith.constant 10 : i32
    %broadcast_in_dim3A_131 = vector.broadcast %broadcast_in_dim3A_130 : i32 to vector<512x128xi32>
    %select_n3A_132 = arith.select %lt3A_128, %broadcast_in_dim3A_131, %select_n3A_116 : vector<512x128xi1>, vector<512x128xi32>
    %slice3A_133 = vector.extract_strided_slice %mul3A_126 {offsets = [0, 128], sizes = [512, 128], strides = [1, 1]} : vector<512x256xf32> to vector<512x128xf32>
    %lt3A_134 = arith.cmpf olt, %slice3A_133, %select_n3A_129 : vector<512x128xf32>
    %select_n3A_135 = arith.select %lt3A_134, %slice3A_133, %select_n3A_129 : vector<512x128xi1>, vector<512x128xf32>
    %broadcast_in_dim3A_136 = arith.constant 11 : i32
    %broadcast_in_dim3A_137 = vector.broadcast %broadcast_in_dim3A_136 : i32 to vector<512x128xi32>
    %select_n3A_138 = arith.select %lt3A_134, %broadcast_in_dim3A_137, %select_n3A_132 : vector<512x128xi1>, vector<512x128xi32>
    %slice3A_139 = vector.extract_strided_slice %get3A_4 {offsets = [1536, 0], sizes = [256, 256], strides = [1, 1]} : vector<8192x256xf32> to vector<256x256xf32>
    %dot_general3A_140 = arith.constant dense<0.000000e+00> : vector<512x256xf32>
    %dot_general3A_141 = tpu.matmul %get3A_1, %slice3A_139, %dot_general3A_140 {dimension_numbers = #tpu.dot_dimension_numbers<[1], [1], [0], [0], [0, 0, 1, 0], [], []>, transpose_lhs_hint = false} : vector<512x256xf32>, vector<256x256xf32>, vector<512x256xf32> -> vector<512x256xf32>
    %add3A_142 = vector.broadcast %get3A_7 : vector<512x1xf32> to vector<512x256xf32>
    %add3A_143 = arith.addf %add3A_142, %dot_general3A_141 : vector<512x256xf32>
    %slice3A_144 = vector.extract_strided_slice %get3A_10 {offsets = [0, 1536], sizes = [1, 256], strides = [1, 1]} : vector<1x8192xf32> to vector<1x256xf32>
    %add3A_145 = vector.broadcast %slice3A_144 : vector<1x256xf32> to vector<512x256xf32>
    %add3A_146 = arith.addf %add3A_143, %add3A_145 : vector<512x256xf32>
    %rsqrt3A_147 = math.rsqrt %add3A_146 : vector<512x256xf32>
    %mul3A_148 = arith.mulf %add3A_146, %rsqrt3A_147 : vector<512x256xf32>
    %slice3A_149 = vector.extract_strided_slice %mul3A_148 {offsets = [0, 0], sizes = [512, 128], strides = [1, 1]} : vector<512x256xf32> to vector<512x128xf32>
    %lt3A_150 = arith.cmpf olt, %slice3A_149, %select_n3A_135 : vector<512x128xf32>
    %select_n3A_151 = arith.select %lt3A_150, %slice3A_149, %select_n3A_135 : vector<512x128xi1>, vector<512x128xf32>
    %broadcast_in_dim3A_152 = arith.constant 12 : i32
    %broadcast_in_dim3A_153 = vector.broadcast %broadcast_in_dim3A_152 : i32 to vector<512x128xi32>
    %select_n3A_154 = arith.select %lt3A_150, %broadcast_in_dim3A_153, %select_n3A_138 : vector<512x128xi1>, vector<512x128xi32>
    %slice3A_155 = vector.extract_strided_slice %mul3A_148 {offsets = [0, 128], sizes = [512, 128], strides = [1, 1]} : vector<512x256xf32> to vector<512x128xf32>
    %lt3A_156 = arith.cmpf olt, %slice3A_155, %select_n3A_151 : vector<512x128xf32>
    %select_n3A_157 = arith.select %lt3A_156, %slice3A_155, %select_n3A_151 : vector<512x128xi1>, vector<512x128xf32>
    %broadcast_in_dim3A_158 = arith.constant 13 : i32
    %broadcast_in_dim3A_159 = vector.broadcast %broadcast_in_dim3A_158 : i32 to vector<512x128xi32>
    %select_n3A_160 = arith.select %lt3A_156, %broadcast_in_dim3A_159, %select_n3A_154 : vector<512x128xi1>, vector<512x128xi32>
    %slice3A_161 = vector.extract_strided_slice %get3A_4 {offsets = [1792, 0], sizes = [256, 256], strides = [1, 1]} : vector<8192x256xf32> to vector<256x256xf32>
    %dot_general3A_162 = arith.constant dense<0.000000e+00> : vector<512x256xf32>
    %dot_general3A_163 = tpu.matmul %get3A_1, %slice3A_161, %dot_general3A_162 {dimension_numbers = #tpu.dot_dimension_numbers<[1], [1], [0], [0], [0, 0, 1, 0], [], []>, transpose_lhs_hint = false} : vector<512x256xf32>, vector<256x256xf32>, vector<512x256xf32> -> vector<512x256xf32>
    %add3A_164 = vector.broadcast %get3A_7 : vector<512x1xf32> to vector<512x256xf32>
    %add3A_165 = arith.addf %add3A_164, %dot_general3A_163 : vector<512x256xf32>
    %slice3A_166 = vector.extract_strided_slice %get3A_10 {offsets = [0, 1792], sizes = [1, 256], strides = [1, 1]} : vector<1x8192xf32> to vector<1x256xf32>
    %add3A_167 = vector.broadcast %slice3A_166 : vector<1x256xf32> to vector<512x256xf32>
    %add3A_168 = arith.addf %add3A_165, %add3A_167 : vector<512x256xf32>
    %rsqrt3A_169 = math.rsqrt %add3A_168 : vector<512x256xf32>
    %mul3A_170 = arith.mulf %add3A_168, %rsqrt3A_169 : vector<512x256xf32>
    %slice3A_171 = vector.extract_strided_slice %mul3A_170 {offsets = [0, 0], sizes = [512, 128], strides = [1, 1]} : vector<512x256xf32> to vector<512x128xf32>
    %lt3A_172 = arith.cmpf olt, %slice3A_171, %select_n3A_157 : vector<512x128xf32>
    %select_n3A_173 = arith.select %lt3A_172, %slice3A_171, %select_n3A_157 : vector<512x128xi1>, vector<512x128xf32>
    %broadcast_in_dim3A_174 = arith.constant 14 : i32
    %broadcast_in_dim3A_175 = vector.broadcast %broadcast_in_dim3A_174 : i32 to vector<512x128xi32>
    %select_n3A_176 = arith.select %lt3A_172, %broadcast_in_dim3A_175, %select_n3A_160 : vector<512x128xi1>, vector<512x128xi32>
    %slice3A_177 = vector.extract_strided_slice %mul3A_170 {offsets = [0, 128], sizes = [512, 128], strides = [1, 1]} : vector<512x256xf32> to vector<512x128xf32>
    %lt3A_178 = arith.cmpf olt, %slice3A_177, %select_n3A_173 : vector<512x128xf32>
    %select_n3A_179 = arith.select %lt3A_178, %slice3A_177, %select_n3A_173 : vector<512x128xi1>, vector<512x128xf32>
    %broadcast_in_dim3A_180 = arith.constant 15 : i32
    %broadcast_in_dim3A_181 = vector.broadcast %broadcast_in_dim3A_180 : i32 to vector<512x128xi32>
    %select_n3A_182 = arith.select %lt3A_178, %broadcast_in_dim3A_181, %select_n3A_176 : vector<512x128xi1>, vector<512x128xi32>
    %slice3A_183 = vector.extract_strided_slice %get3A_4 {offsets = [2048, 0], sizes = [256, 256], strides = [1, 1]} : vector<8192x256xf32> to vector<256x256xf32>
    %dot_general3A_184 = arith.constant dense<0.000000e+00> : vector<512x256xf32>
    %dot_general3A_185 = tpu.matmul %get3A_1, %slice3A_183, %dot_general3A_184 {dimension_numbers = #tpu.dot_dimension_numbers<[1], [1], [0], [0], [0, 0, 1, 0], [], []>, transpose_lhs_hint = false} : vector<512x256xf32>, vector<256x256xf32>, vector<512x256xf32> -> vector<512x256xf32>
    %add3A_186 = vector.broadcast %get3A_7 : vector<512x1xf32> to vector<512x256xf32>
    %add3A_187 = arith.addf %add3A_186, %dot_general3A_185 : vector<512x256xf32>
    %slice3A_188 = vector.extract_strided_slice %get3A_10 {offsets = [0, 2048], sizes = [1, 256], strides = [1, 1]} : vector<1x8192xf32> to vector<1x256xf32>
    %add3A_189 = vector.broadcast %slice3A_188 : vector<1x256xf32> to vector<512x256xf32>
    %add3A_190 = arith.addf %add3A_187, %add3A_189 : vector<512x256xf32>
    %rsqrt3A_191 = math.rsqrt %add3A_190 : vector<512x256xf32>
    %mul3A_192 = arith.mulf %add3A_190, %rsqrt3A_191 : vector<512x256xf32>
    %slice3A_193 = vector.extract_strided_slice %mul3A_192 {offsets = [0, 0], sizes = [512, 128], strides = [1, 1]} : vector<512x256xf32> to vector<512x128xf32>
    %lt3A_194 = arith.cmpf olt, %slice3A_193, %select_n3A_179 : vector<512x128xf32>
    %select_n3A_195 = arith.select %lt3A_194, %slice3A_193, %select_n3A_179 : vector<512x128xi1>, vector<512x128xf32>
    %broadcast_in_dim3A_196 = arith.constant 16 : i32
    %broadcast_in_dim3A_197 = vector.broadcast %broadcast_in_dim3A_196 : i32 to vector<512x128xi32>
    %select_n3A_198 = arith.select %lt3A_194, %broadcast_in_dim3A_197, %select_n3A_182 : vector<512x128xi1>, vector<512x128xi32>
    %slice3A_199 = vector.extract_strided_slice %mul3A_192 {offsets = [0, 128], sizes = [512, 128], strides = [1, 1]} : vector<512x256xf32> to vector<512x128xf32>
    %lt3A_200 = arith.cmpf olt, %slice3A_199, %select_n3A_195 : vector<512x128xf32>
    %select_n3A_201 = arith.select %lt3A_200, %slice3A_199, %select_n3A_195 : vector<512x128xi1>, vector<512x128xf32>
    %broadcast_in_dim3A_202 = arith.constant 17 : i32
    %broadcast_in_dim3A_203 = vector.broadcast %broadcast_in_dim3A_202 : i32 to vector<512x128xi32>
    %select_n3A_204 = arith.select %lt3A_200, %broadcast_in_dim3A_203, %select_n3A_198 : vector<512x128xi1>, vector<512x128xi32>
    %slice3A_205 = vector.extract_strided_slice %get3A_4 {offsets = [2304, 0], sizes = [256, 256], strides = [1, 1]} : vector<8192x256xf32> to vector<256x256xf32>
    %dot_general3A_206 = arith.constant dense<0.000000e+00> : vector<512x256xf32>
    %dot_general3A_207 = tpu.matmul %get3A_1, %slice3A_205, %dot_general3A_206 {dimension_numbers = #tpu.dot_dimension_numbers<[1], [1], [0], [0], [0, 0, 1, 0], [], []>, transpose_lhs_hint = false} : vector<512x256xf32>, vector<256x256xf32>, vector<512x256xf32> -> vector<512x256xf32>
    %add3A_208 = vector.broadcast %get3A_7 : vector<512x1xf32> to vector<512x256xf32>
    %add3A_209 = arith.addf %add3A_208, %dot_general3A_207 : vector<512x256xf32>
    %slice3A_210 = vector.extract_strided_slice %get3A_10 {offsets = [0, 2304], sizes = [1, 256], strides = [1, 1]} : vector<1x8192xf32> to vector<1x256xf32>
    %add3A_211 = vector.broadcast %slice3A_210 : vector<1x256xf32> to vector<512x256xf32>
    %add3A_212 = arith.addf %add3A_209, %add3A_211 : vector<512x256xf32>
    %rsqrt3A_213 = math.rsqrt %add3A_212 : vector<512x256xf32>
    %mul3A_214 = arith.mulf %add3A_212, %rsqrt3A_213 : vector<512x256xf32>
    %slice3A_215 = vector.extract_strided_slice %mul3A_214 {offsets = [0, 0], sizes = [512, 128], strides = [1, 1]} : vector<512x256xf32> to vector<512x128xf32>
    %lt3A_216 = arith.cmpf olt, %slice3A_215, %select_n3A_201 : vector<512x128xf32>
    %select_n3A_217 = arith.select %lt3A_216, %slice3A_215, %select_n3A_201 : vector<512x128xi1>, vector<512x128xf32>
    %broadcast_in_dim3A_218 = arith.constant 18 : i32
    %broadcast_in_dim3A_219 = vector.broadcast %broadcast_in_dim3A_218 : i32 to vector<512x128xi32>
    %select_n3A_220 = arith.select %lt3A_216, %broadcast_in_dim3A_219, %select_n3A_204 : vector<512x128xi1>, vector<512x128xi32>
    %slice3A_221 = vector.extract_strided_slice %mul3A_214 {offsets = [0, 128], sizes = [512, 128], strides = [1, 1]} : vector<512x256xf32> to vector<512x128xf32>
    %lt3A_222 = arith.cmpf olt, %slice3A_221, %select_n3A_217 : vector<512x128xf32>
    %select_n3A_223 = arith.select %lt3A_222, %slice3A_221, %select_n3A_217 : vector<512x128xi1>, vector<512x128xf32>
    %broadcast_in_dim3A_224 = arith.constant 19 : i32
    %broadcast_in_dim3A_225 = vector.broadcast %broadcast_in_dim3A_224 : i32 to vector<512x128xi32>
    %select_n3A_226 = arith.select %lt3A_222, %broadcast_in_dim3A_225, %select_n3A_220 : vector<512x128xi1>, vector<512x128xi32>
    %slice3A_227 = vector.extract_strided_slice %get3A_4 {offsets = [2560, 0], sizes = [256, 256], strides = [1, 1]} : vector<8192x256xf32> to vector<256x256xf32>
    %dot_general3A_228 = arith.constant dense<0.000000e+00> : vector<512x256xf32>
    %dot_general3A_229 = tpu.matmul %get3A_1, %slice3A_227, %dot_general3A_228 {dimension_numbers = #tpu.dot_dimension_numbers<[1], [1], [0], [0], [0, 0, 1, 0], [], []>, transpose_lhs_hint = false} : vector<512x256xf32>, vector<256x256xf32>, vector<512x256xf32> -> vector<512x256xf32>
    %add3A_230 = vector.broadcast %get3A_7 : vector<512x1xf32> to vector<512x256xf32>
    %add3A_231 = arith.addf %add3A_230, %dot_general3A_229 : vector<512x256xf32>
    %slice3A_232 = vector.extract_strided_slice %get3A_10 {offsets = [0, 2560], sizes = [1, 256], strides = [1, 1]} : vector<1x8192xf32> to vector<1x256xf32>
    %add3A_233 = vector.broadcast %slice3A_232 : vector<1x256xf32> to vector<512x256xf32>
    %add3A_234 = arith.addf %add3A_231, %add3A_233 : vector<512x256xf32>
    %rsqrt3A_235 = math.rsqrt %add3A_234 : vector<512x256xf32>
    %mul3A_236 = arith.mulf %add3A_234, %rsqrt3A_235 : vector<512x256xf32>
    %slice3A_237 = vector.extract_strided_slice %mul3A_236 {offsets = [0, 0], sizes = [512, 128], strides = [1, 1]} : vector<512x256xf32> to vector<512x128xf32>
    %lt3A_238 = arith.cmpf olt, %slice3A_237, %select_n3A_223 : vector<512x128xf32>
    %select_n3A_239 = arith.select %lt3A_238, %slice3A_237, %select_n3A_223 : vector<512x128xi1>, vector<512x128xf32>
    %broadcast_in_dim3A_240 = arith.constant 20 : i32
    %broadcast_in_dim3A_241 = vector.broadcast %broadcast_in_dim3A_240 : i32 to vector<512x128xi32>
    %select_n3A_242 = arith.select %lt3A_238, %broadcast_in_dim3A_241, %select_n3A_226 : vector<512x128xi1>, vector<512x128xi32>
    %slice3A_243 = vector.extract_strided_slice %mul3A_236 {offsets = [0, 128], sizes = [512, 128], strides = [1, 1]} : vector<512x256xf32> to vector<512x128xf32>
    %lt3A_244 = arith.cmpf olt, %slice3A_243, %select_n3A_239 : vector<512x128xf32>
    %select_n3A_245 = arith.select %lt3A_244, %slice3A_243, %select_n3A_239 : vector<512x128xi1>, vector<512x128xf32>
    %broadcast_in_dim3A_246 = arith.constant 21 : i32
    %broadcast_in_dim3A_247 = vector.broadcast %broadcast_in_dim3A_246 : i32 to vector<512x128xi32>
    %select_n3A_248 = arith.select %lt3A_244, %broadcast_in_dim3A_247, %select_n3A_242 : vector<512x128xi1>, vector<512x128xi32>
    %slice3A_249 = vector.extract_strided_slice %get3A_4 {offsets = [2816, 0], sizes = [256, 256], strides = [1, 1]} : vector<8192x256xf32> to vector<256x256xf32>
    %dot_general3A_250 = arith.constant dense<0.000000e+00> : vector<512x256xf32>
    %dot_general3A_251 = tpu.matmul %get3A_1, %slice3A_249, %dot_general3A_250 {dimension_numbers = #tpu.dot_dimension_numbers<[1], [1], [0], [0], [0, 0, 1, 0], [], []>, transpose_lhs_hint = false} : vector<512x256xf32>, vector<256x256xf32>, vector<512x256xf32> -> vector<512x256xf32>
    %add3A_252 = vector.broadcast %get3A_7 : vector<512x1xf32> to vector<512x256xf32>
    %add3A_253 = arith.addf %add3A_252, %dot_general3A_251 : vector<512x256xf32>
    %slice3A_254 = vector.extract_strided_slice %get3A_10 {offsets = [0, 2816], sizes = [1, 256], strides = [1, 1]} : vector<1x8192xf32> to vector<1x256xf32>
    %add3A_255 = vector.broadcast %slice3A_254 : vector<1x256xf32> to vector<512x256xf32>
    %add3A_256 = arith.addf %add3A_253, %add3A_255 : vector<512x256xf32>
    %rsqrt3A_257 = math.rsqrt %add3A_256 : vector<512x256xf32>
    %mul3A_258 = arith.mulf %add3A_256, %rsqrt3A_257 : vector<512x256xf32>
    %slice3A_259 = vector.extract_strided_slice %mul3A_258 {offsets = [0, 0], sizes = [512, 128], strides = [1, 1]} : vector<512x256xf32> to vector<512x128xf32>
    %lt3A_260 = arith.cmpf olt, %slice3A_259, %select_n3A_245 : vector<512x128xf32>
    %select_n3A_261 = arith.select %lt3A_260, %slice3A_259, %select_n3A_245 : vector<512x128xi1>, vector<512x128xf32>
    %broadcast_in_dim3A_262 = arith.constant 22 : i32
    %broadcast_in_dim3A_263 = vector.broadcast %broadcast_in_dim3A_262 : i32 to vector<512x128xi32>
    %select_n3A_264 = arith.select %lt3A_260, %broadcast_in_dim3A_263, %select_n3A_248 : vector<512x128xi1>, vector<512x128xi32>
    %slice3A_265 = vector.extract_strided_slice %mul3A_258 {offsets = [0, 128], sizes = [512, 128], strides = [1, 1]} : vector<512x256xf32> to vector<512x128xf32>
    %lt3A_266 = arith.cmpf olt, %slice3A_265, %select_n3A_261 : vector<512x128xf32>
    %select_n3A_267 = arith.select %lt3A_266, %slice3A_265, %select_n3A_261 : vector<512x128xi1>, vector<512x128xf32>
    %broadcast_in_dim3A_268 = arith.constant 23 : i32
    %broadcast_in_dim3A_269 = vector.broadcast %broadcast_in_dim3A_268 : i32 to vector<512x128xi32>
    %select_n3A_270 = arith.select %lt3A_266, %broadcast_in_dim3A_269, %select_n3A_264 : vector<512x128xi1>, vector<512x128xi32>
    %slice3A_271 = vector.extract_strided_slice %get3A_4 {offsets = [3072, 0], sizes = [256, 256], strides = [1, 1]} : vector<8192x256xf32> to vector<256x256xf32>
    %dot_general3A_272 = arith.constant dense<0.000000e+00> : vector<512x256xf32>
    %dot_general3A_273 = tpu.matmul %get3A_1, %slice3A_271, %dot_general3A_272 {dimension_numbers = #tpu.dot_dimension_numbers<[1], [1], [0], [0], [0, 0, 1, 0], [], []>, transpose_lhs_hint = false} : vector<512x256xf32>, vector<256x256xf32>, vector<512x256xf32> -> vector<512x256xf32>
    %add3A_274 = vector.broadcast %get3A_7 : vector<512x1xf32> to vector<512x256xf32>
    %add3A_275 = arith.addf %add3A_274, %dot_general3A_273 : vector<512x256xf32>
    %slice3A_276 = vector.extract_strided_slice %get3A_10 {offsets = [0, 3072], sizes = [1, 256], strides = [1, 1]} : vector<1x8192xf32> to vector<1x256xf32>
    %add3A_277 = vector.broadcast %slice3A_276 : vector<1x256xf32> to vector<512x256xf32>
    %add3A_278 = arith.addf %add3A_275, %add3A_277 : vector<512x256xf32>
    %rsqrt3A_279 = math.rsqrt %add3A_278 : vector<512x256xf32>
    %mul3A_280 = arith.mulf %add3A_278, %rsqrt3A_279 : vector<512x256xf32>
    %slice3A_281 = vector.extract_strided_slice %mul3A_280 {offsets = [0, 0], sizes = [512, 128], strides = [1, 1]} : vector<512x256xf32> to vector<512x128xf32>
    %lt3A_282 = arith.cmpf olt, %slice3A_281, %select_n3A_267 : vector<512x128xf32>
    %select_n3A_283 = arith.select %lt3A_282, %slice3A_281, %select_n3A_267 : vector<512x128xi1>, vector<512x128xf32>
    %broadcast_in_dim3A_284 = arith.constant 24 : i32
    %broadcast_in_dim3A_285 = vector.broadcast %broadcast_in_dim3A_284 : i32 to vector<512x128xi32>
    %select_n3A_286 = arith.select %lt3A_282, %broadcast_in_dim3A_285, %select_n3A_270 : vector<512x128xi1>, vector<512x128xi32>
    %slice3A_287 = vector.extract_strided_slice %mul3A_280 {offsets = [0, 128], sizes = [512, 128], strides = [1, 1]} : vector<512x256xf32> to vector<512x128xf32>
    %lt3A_288 = arith.cmpf olt, %slice3A_287, %select_n3A_283 : vector<512x128xf32>
    %select_n3A_289 = arith.select %lt3A_288, %slice3A_287, %select_n3A_283 : vector<512x128xi1>, vector<512x128xf32>
    %broadcast_in_dim3A_290 = arith.constant 25 : i32
    %broadcast_in_dim3A_291 = vector.broadcast %broadcast_in_dim3A_290 : i32 to vector<512x128xi32>
    %select_n3A_292 = arith.select %lt3A_288, %broadcast_in_dim3A_291, %select_n3A_286 : vector<512x128xi1>, vector<512x128xi32>
    %slice3A_293 = vector.extract_strided_slice %get3A_4 {offsets = [3328, 0], sizes = [256, 256], strides = [1, 1]} : vector<8192x256xf32> to vector<256x256xf32>
    %dot_general3A_294 = arith.constant dense<0.000000e+00> : vector<512x256xf32>
    %dot_general3A_295 = tpu.matmul %get3A_1, %slice3A_293, %dot_general3A_294 {dimension_numbers = #tpu.dot_dimension_numbers<[1], [1], [0], [0], [0, 0, 1, 0], [], []>, transpose_lhs_hint = false} : vector<512x256xf32>, vector<256x256xf32>, vector<512x256xf32> -> vector<512x256xf32>
    %add3A_296 = vector.broadcast %get3A_7 : vector<512x1xf32> to vector<512x256xf32>
    %add3A_297 = arith.addf %add3A_296, %dot_general3A_295 : vector<512x256xf32>
    %slice3A_298 = vector.extract_strided_slice %get3A_10 {offsets = [0, 3328], sizes = [1, 256], strides = [1, 1]} : vector<1x8192xf32> to vector<1x256xf32>
    %add3A_299 = vector.broadcast %slice3A_298 : vector<1x256xf32> to vector<512x256xf32>
    %add3A_300 = arith.addf %add3A_297, %add3A_299 : vector<512x256xf32>
    %rsqrt3A_301 = math.rsqrt %add3A_300 : vector<512x256xf32>
    %mul3A_302 = arith.mulf %add3A_300, %rsqrt3A_301 : vector<512x256xf32>
    %slice3A_303 = vector.extract_strided_slice %mul3A_302 {offsets = [0, 0], sizes = [512, 128], strides = [1, 1]} : vector<512x256xf32> to vector<512x128xf32>
    %lt3A_304 = arith.cmpf olt, %slice3A_303, %select_n3A_289 : vector<512x128xf32>
    %select_n3A_305 = arith.select %lt3A_304, %slice3A_303, %select_n3A_289 : vector<512x128xi1>, vector<512x128xf32>
    %broadcast_in_dim3A_306 = arith.constant 26 : i32
    %broadcast_in_dim3A_307 = vector.broadcast %broadcast_in_dim3A_306 : i32 to vector<512x128xi32>
    %select_n3A_308 = arith.select %lt3A_304, %broadcast_in_dim3A_307, %select_n3A_292 : vector<512x128xi1>, vector<512x128xi32>
    %slice3A_309 = vector.extract_strided_slice %mul3A_302 {offsets = [0, 128], sizes = [512, 128], strides = [1, 1]} : vector<512x256xf32> to vector<512x128xf32>
    %lt3A_310 = arith.cmpf olt, %slice3A_309, %select_n3A_305 : vector<512x128xf32>
    %select_n3A_311 = arith.select %lt3A_310, %slice3A_309, %select_n3A_305 : vector<512x128xi1>, vector<512x128xf32>
    %broadcast_in_dim3A_312 = arith.constant 27 : i32
    %broadcast_in_dim3A_313 = vector.broadcast %broadcast_in_dim3A_312 : i32 to vector<512x128xi32>
    %select_n3A_314 = arith.select %lt3A_310, %broadcast_in_dim3A_313, %select_n3A_308 : vector<512x128xi1>, vector<512x128xi32>
    %slice3A_315 = vector.extract_strided_slice %get3A_4 {offsets = [3584, 0], sizes = [256, 256], strides = [1, 1]} : vector<8192x256xf32> to vector<256x256xf32>
    %dot_general3A_316 = arith.constant dense<0.000000e+00> : vector<512x256xf32>
    %dot_general3A_317 = tpu.matmul %get3A_1, %slice3A_315, %dot_general3A_316 {dimension_numbers = #tpu.dot_dimension_numbers<[1], [1], [0], [0], [0, 0, 1, 0], [], []>, transpose_lhs_hint = false} : vector<512x256xf32>, vector<256x256xf32>, vector<512x256xf32> -> vector<512x256xf32>
    %add3A_318 = vector.broadcast %get3A_7 : vector<512x1xf32> to vector<512x256xf32>
    %add3A_319 = arith.addf %add3A_318, %dot_general3A_317 : vector<512x256xf32>
    %slice3A_320 = vector.extract_strided_slice %get3A_10 {offsets = [0, 3584], sizes = [1, 256], strides = [1, 1]} : vector<1x8192xf32> to vector<1x256xf32>
    %add3A_321 = vector.broadcast %slice3A_320 : vector<1x256xf32> to vector<512x256xf32>
    %add3A_322 = arith.addf %add3A_319, %add3A_321 : vector<512x256xf32>
    %rsqrt3A_323 = math.rsqrt %add3A_322 : vector<512x256xf32>
    %mul3A_324 = arith.mulf %add3A_322, %rsqrt3A_323 : vector<512x256xf32>
    %slice3A_325 = vector.extract_strided_slice %mul3A_324 {offsets = [0, 0], sizes = [512, 128], strides = [1, 1]} : vector<512x256xf32> to vector<512x128xf32>
    %lt3A_326 = arith.cmpf olt, %slice3A_325, %select_n3A_311 : vector<512x128xf32>
    %select_n3A_327 = arith.select %lt3A_326, %slice3A_325, %select_n3A_311 : vector<512x128xi1>, vector<512x128xf32>
    %broadcast_in_dim3A_328 = arith.constant 28 : i32
    %broadcast_in_dim3A_329 = vector.broadcast %broadcast_in_dim3A_328 : i32 to vector<512x128xi32>
    %select_n3A_330 = arith.select %lt3A_326, %broadcast_in_dim3A_329, %select_n3A_314 : vector<512x128xi1>, vector<512x128xi32>
    %slice3A_331 = vector.extract_strided_slice %mul3A_324 {offsets = [0, 128], sizes = [512, 128], strides = [1, 1]} : vector<512x256xf32> to vector<512x128xf32>
    %lt3A_332 = arith.cmpf olt, %slice3A_331, %select_n3A_327 : vector<512x128xf32>
    %select_n3A_333 = arith.select %lt3A_332, %slice3A_331, %select_n3A_327 : vector<512x128xi1>, vector<512x128xf32>
    %broadcast_in_dim3A_334 = arith.constant 29 : i32
    %broadcast_in_dim3A_335 = vector.broadcast %broadcast_in_dim3A_334 : i32 to vector<512x128xi32>
    %select_n3A_336 = arith.select %lt3A_332, %broadcast_in_dim3A_335, %select_n3A_330 : vector<512x128xi1>, vector<512x128xi32>
    %slice3A_337 = vector.extract_strided_slice %get3A_4 {offsets = [3840, 0], sizes = [256, 256], strides = [1, 1]} : vector<8192x256xf32> to vector<256x256xf32>
    %dot_general3A_338 = arith.constant dense<0.000000e+00> : vector<512x256xf32>
    %dot_general3A_339 = tpu.matmul %get3A_1, %slice3A_337, %dot_general3A_338 {dimension_numbers = #tpu.dot_dimension_numbers<[1], [1], [0], [0], [0, 0, 1, 0], [], []>, transpose_lhs_hint = false} : vector<512x256xf32>, vector<256x256xf32>, vector<512x256xf32> -> vector<512x256xf32>
    %add3A_340 = vector.broadcast %get3A_7 : vector<512x1xf32> to vector<512x256xf32>
    %add3A_341 = arith.addf %add3A_340, %dot_general3A_339 : vector<512x256xf32>
    %slice3A_342 = vector.extract_strided_slice %get3A_10 {offsets = [0, 3840], sizes = [1, 256], strides = [1, 1]} : vector<1x8192xf32> to vector<1x256xf32>
    %add3A_343 = vector.broadcast %slice3A_342 : vector<1x256xf32> to vector<512x256xf32>
    %add3A_344 = arith.addf %add3A_341, %add3A_343 : vector<512x256xf32>
    %rsqrt3A_345 = math.rsqrt %add3A_344 : vector<512x256xf32>
    %mul3A_346 = arith.mulf %add3A_344, %rsqrt3A_345 : vector<512x256xf32>
    %slice3A_347 = vector.extract_strided_slice %mul3A_346 {offsets = [0, 0], sizes = [512, 128], strides = [1, 1]} : vector<512x256xf32> to vector<512x128xf32>
    %lt3A_348 = arith.cmpf olt, %slice3A_347, %select_n3A_333 : vector<512x128xf32>
    %select_n3A_349 = arith.select %lt3A_348, %slice3A_347, %select_n3A_333 : vector<512x128xi1>, vector<512x128xf32>
    %broadcast_in_dim3A_350 = arith.constant 30 : i32
    %broadcast_in_dim3A_351 = vector.broadcast %broadcast_in_dim3A_350 : i32 to vector<512x128xi32>
    %select_n3A_352 = arith.select %lt3A_348, %broadcast_in_dim3A_351, %select_n3A_336 : vector<512x128xi1>, vector<512x128xi32>
    %slice3A_353 = vector.extract_strided_slice %mul3A_346 {offsets = [0, 128], sizes = [512, 128], strides = [1, 1]} : vector<512x256xf32> to vector<512x128xf32>
    %lt3A_354 = arith.cmpf olt, %slice3A_353, %select_n3A_349 : vector<512x128xf32>
    %select_n3A_355 = arith.select %lt3A_354, %slice3A_353, %select_n3A_349 : vector<512x128xi1>, vector<512x128xf32>
    %broadcast_in_dim3A_356 = arith.constant 31 : i32
    %broadcast_in_dim3A_357 = vector.broadcast %broadcast_in_dim3A_356 : i32 to vector<512x128xi32>
    %select_n3A_358 = arith.select %lt3A_354, %broadcast_in_dim3A_357, %select_n3A_352 : vector<512x128xi1>, vector<512x128xi32>
    %slice3A_359 = vector.extract_strided_slice %get3A_4 {offsets = [4096, 0], sizes = [256, 256], strides = [1, 1]} : vector<8192x256xf32> to vector<256x256xf32>
    %dot_general3A_360 = arith.constant dense<0.000000e+00> : vector<512x256xf32>
    %dot_general3A_361 = tpu.matmul %get3A_1, %slice3A_359, %dot_general3A_360 {dimension_numbers = #tpu.dot_dimension_numbers<[1], [1], [0], [0], [0, 0, 1, 0], [], []>, transpose_lhs_hint = false} : vector<512x256xf32>, vector<256x256xf32>, vector<512x256xf32> -> vector<512x256xf32>
    %add3A_362 = vector.broadcast %get3A_7 : vector<512x1xf32> to vector<512x256xf32>
    %add3A_363 = arith.addf %add3A_362, %dot_general3A_361 : vector<512x256xf32>
    %slice3A_364 = vector.extract_strided_slice %get3A_10 {offsets = [0, 4096], sizes = [1, 256], strides = [1, 1]} : vector<1x8192xf32> to vector<1x256xf32>
    %add3A_365 = vector.broadcast %slice3A_364 : vector<1x256xf32> to vector<512x256xf32>
    %add3A_366 = arith.addf %add3A_363, %add3A_365 : vector<512x256xf32>
    %rsqrt3A_367 = math.rsqrt %add3A_366 : vector<512x256xf32>
    %mul3A_368 = arith.mulf %add3A_366, %rsqrt3A_367 : vector<512x256xf32>
    %slice3A_369 = vector.extract_strided_slice %mul3A_368 {offsets = [0, 0], sizes = [512, 128], strides = [1, 1]} : vector<512x256xf32> to vector<512x128xf32>
    %lt3A_370 = arith.cmpf olt, %slice3A_369, %select_n3A_355 : vector<512x128xf32>
    %select_n3A_371 = arith.select %lt3A_370, %slice3A_369, %select_n3A_355 : vector<512x128xi1>, vector<512x128xf32>
    %broadcast_in_dim3A_372 = arith.constant 32 : i32
    %broadcast_in_dim3A_373 = vector.broadcast %broadcast_in_dim3A_372 : i32 to vector<512x128xi32>
    %select_n3A_374 = arith.select %lt3A_370, %broadcast_in_dim3A_373, %select_n3A_358 : vector<512x128xi1>, vector<512x128xi32>
    %slice3A_375 = vector.extract_strided_slice %mul3A_368 {offsets = [0, 128], sizes = [512, 128], strides = [1, 1]} : vector<512x256xf32> to vector<512x128xf32>
    %lt3A_376 = arith.cmpf olt, %slice3A_375, %select_n3A_371 : vector<512x128xf32>
    %select_n3A_377 = arith.select %lt3A_376, %slice3A_375, %select_n3A_371 : vector<512x128xi1>, vector<512x128xf32>
    %broadcast_in_dim3A_378 = arith.constant 33 : i32
    %broadcast_in_dim3A_379 = vector.broadcast %broadcast_in_dim3A_378 : i32 to vector<512x128xi32>
    %select_n3A_380 = arith.select %lt3A_376, %broadcast_in_dim3A_379, %select_n3A_374 : vector<512x128xi1>, vector<512x128xi32>
    %slice3A_381 = vector.extract_strided_slice %get3A_4 {offsets = [4352, 0], sizes = [256, 256], strides = [1, 1]} : vector<8192x256xf32> to vector<256x256xf32>
    %dot_general3A_382 = arith.constant dense<0.000000e+00> : vector<512x256xf32>
    %dot_general3A_383 = tpu.matmul %get3A_1, %slice3A_381, %dot_general3A_382 {dimension_numbers = #tpu.dot_dimension_numbers<[1], [1], [0], [0], [0, 0, 1, 0], [], []>, transpose_lhs_hint = false} : vector<512x256xf32>, vector<256x256xf32>, vector<512x256xf32> -> vector<512x256xf32>
    %add3A_384 = vector.broadcast %get3A_7 : vector<512x1xf32> to vector<512x256xf32>
    %add3A_385 = arith.addf %add3A_384, %dot_general3A_383 : vector<512x256xf32>
    %slice3A_386 = vector.extract_strided_slice %get3A_10 {offsets = [0, 4352], sizes = [1, 256], strides = [1, 1]} : vector<1x8192xf32> to vector<1x256xf32>
    %add3A_387 = vector.broadcast %slice3A_386 : vector<1x256xf32> to vector<512x256xf32>
    %add3A_388 = arith.addf %add3A_385, %add3A_387 : vector<512x256xf32>
    %rsqrt3A_389 = math.rsqrt %add3A_388 : vector<512x256xf32>
    %mul3A_390 = arith.mulf %add3A_388, %rsqrt3A_389 : vector<512x256xf32>
    %slice3A_391 = vector.extract_strided_slice %mul3A_390 {offsets = [0, 0], sizes = [512, 128], strides = [1, 1]} : vector<512x256xf32> to vector<512x128xf32>
    %lt3A_392 = arith.cmpf olt, %slice3A_391, %select_n3A_377 : vector<512x128xf32>
    %select_n3A_393 = arith.select %lt3A_392, %slice3A_391, %select_n3A_377 : vector<512x128xi1>, vector<512x128xf32>
    %broadcast_in_dim3A_394 = arith.constant 34 : i32
    %broadcast_in_dim3A_395 = vector.broadcast %broadcast_in_dim3A_394 : i32 to vector<512x128xi32>
    %select_n3A_396 = arith.select %lt3A_392, %broadcast_in_dim3A_395, %select_n3A_380 : vector<512x128xi1>, vector<512x128xi32>
    %slice3A_397 = vector.extract_strided_slice %mul3A_390 {offsets = [0, 128], sizes = [512, 128], strides = [1, 1]} : vector<512x256xf32> to vector<512x128xf32>
    %lt3A_398 = arith.cmpf olt, %slice3A_397, %select_n3A_393 : vector<512x128xf32>
    %select_n3A_399 = arith.select %lt3A_398, %slice3A_397, %select_n3A_393 : vector<512x128xi1>, vector<512x128xf32>
    %broadcast_in_dim3A_400 = arith.constant 35 : i32
    %broadcast_in_dim3A_401 = vector.broadcast %broadcast_in_dim3A_400 : i32 to vector<512x128xi32>
    %select_n3A_402 = arith.select %lt3A_398, %broadcast_in_dim3A_401, %select_n3A_396 : vector<512x128xi1>, vector<512x128xi32>
    %slice3A_403 = vector.extract_strided_slice %get3A_4 {offsets = [4608, 0], sizes = [256, 256], strides = [1, 1]} : vector<8192x256xf32> to vector<256x256xf32>
    %dot_general3A_404 = arith.constant dense<0.000000e+00> : vector<512x256xf32>
    %dot_general3A_405 = tpu.matmul %get3A_1, %slice3A_403, %dot_general3A_404 {dimension_numbers = #tpu.dot_dimension_numbers<[1], [1], [0], [0], [0, 0, 1, 0], [], []>, transpose_lhs_hint = false} : vector<512x256xf32>, vector<256x256xf32>, vector<512x256xf32> -> vector<512x256xf32>
    %add3A_406 = vector.broadcast %get3A_7 : vector<512x1xf32> to vector<512x256xf32>
    %add3A_407 = arith.addf %add3A_406, %dot_general3A_405 : vector<512x256xf32>
    %slice3A_408 = vector.extract_strided_slice %get3A_10 {offsets = [0, 4608], sizes = [1, 256], strides = [1, 1]} : vector<1x8192xf32> to vector<1x256xf32>
    %add3A_409 = vector.broadcast %slice3A_408 : vector<1x256xf32> to vector<512x256xf32>
    %add3A_410 = arith.addf %add3A_407, %add3A_409 : vector<512x256xf32>
    %rsqrt3A_411 = math.rsqrt %add3A_410 : vector<512x256xf32>
    %mul3A_412 = arith.mulf %add3A_410, %rsqrt3A_411 : vector<512x256xf32>
    %slice3A_413 = vector.extract_strided_slice %mul3A_412 {offsets = [0, 0], sizes = [512, 128], strides = [1, 1]} : vector<512x256xf32> to vector<512x128xf32>
    %lt3A_414 = arith.cmpf olt, %slice3A_413, %select_n3A_399 : vector<512x128xf32>
    %select_n3A_415 = arith.select %lt3A_414, %slice3A_413, %select_n3A_399 : vector<512x128xi1>, vector<512x128xf32>
    %broadcast_in_dim3A_416 = arith.constant 36 : i32
    %broadcast_in_dim3A_417 = vector.broadcast %broadcast_in_dim3A_416 : i32 to vector<512x128xi32>
    %select_n3A_418 = arith.select %lt3A_414, %broadcast_in_dim3A_417, %select_n3A_402 : vector<512x128xi1>, vector<512x128xi32>
    %slice3A_419 = vector.extract_strided_slice %mul3A_412 {offsets = [0, 128], sizes = [512, 128], strides = [1, 1]} : vector<512x256xf32> to vector<512x128xf32>
    %lt3A_420 = arith.cmpf olt, %slice3A_419, %select_n3A_415 : vector<512x128xf32>
    %select_n3A_421 = arith.select %lt3A_420, %slice3A_419, %select_n3A_415 : vector<512x128xi1>, vector<512x128xf32>
    %broadcast_in_dim3A_422 = arith.constant 37 : i32
    %broadcast_in_dim3A_423 = vector.broadcast %broadcast_in_dim3A_422 : i32 to vector<512x128xi32>
    %select_n3A_424 = arith.select %lt3A_420, %broadcast_in_dim3A_423, %select_n3A_418 : vector<512x128xi1>, vector<512x128xi32>
    %slice3A_425 = vector.extract_strided_slice %get3A_4 {offsets = [4864, 0], sizes = [256, 256], strides = [1, 1]} : vector<8192x256xf32> to vector<256x256xf32>
    %dot_general3A_426 = arith.constant dense<0.000000e+00> : vector<512x256xf32>
    %dot_general3A_427 = tpu.matmul %get3A_1, %slice3A_425, %dot_general3A_426 {dimension_numbers = #tpu.dot_dimension_numbers<[1], [1], [0], [0], [0, 0, 1, 0], [], []>, transpose_lhs_hint = false} : vector<512x256xf32>, vector<256x256xf32>, vector<512x256xf32> -> vector<512x256xf32>
    %add3A_428 = vector.broadcast %get3A_7 : vector<512x1xf32> to vector<512x256xf32>
    %add3A_429 = arith.addf %add3A_428, %dot_general3A_427 : vector<512x256xf32>
    %slice3A_430 = vector.extract_strided_slice %get3A_10 {offsets = [0, 4864], sizes = [1, 256], strides = [1, 1]} : vector<1x8192xf32> to vector<1x256xf32>
    %add3A_431 = vector.broadcast %slice3A_430 : vector<1x256xf32> to vector<512x256xf32>
    %add3A_432 = arith.addf %add3A_429, %add3A_431 : vector<512x256xf32>
    %rsqrt3A_433 = math.rsqrt %add3A_432 : vector<512x256xf32>
    %mul3A_434 = arith.mulf %add3A_432, %rsqrt3A_433 : vector<512x256xf32>
    %slice3A_435 = vector.extract_strided_slice %mul3A_434 {offsets = [0, 0], sizes = [512, 128], strides = [1, 1]} : vector<512x256xf32> to vector<512x128xf32>
    %lt3A_436 = arith.cmpf olt, %slice3A_435, %select_n3A_421 : vector<512x128xf32>
    %select_n3A_437 = arith.select %lt3A_436, %slice3A_435, %select_n3A_421 : vector<512x128xi1>, vector<512x128xf32>
    %broadcast_in_dim3A_438 = arith.constant 38 : i32
    %broadcast_in_dim3A_439 = vector.broadcast %broadcast_in_dim3A_438 : i32 to vector<512x128xi32>
    %select_n3A_440 = arith.select %lt3A_436, %broadcast_in_dim3A_439, %select_n3A_424 : vector<512x128xi1>, vector<512x128xi32>
    %slice3A_441 = vector.extract_strided_slice %mul3A_434 {offsets = [0, 128], sizes = [512, 128], strides = [1, 1]} : vector<512x256xf32> to vector<512x128xf32>
    %lt3A_442 = arith.cmpf olt, %slice3A_441, %select_n3A_437 : vector<512x128xf32>
    %select_n3A_443 = arith.select %lt3A_442, %slice3A_441, %select_n3A_437 : vector<512x128xi1>, vector<512x128xf32>
    %broadcast_in_dim3A_444 = arith.constant 39 : i32
    %broadcast_in_dim3A_445 = vector.broadcast %broadcast_in_dim3A_444 : i32 to vector<512x128xi32>
    %select_n3A_446 = arith.select %lt3A_442, %broadcast_in_dim3A_445, %select_n3A_440 : vector<512x128xi1>, vector<512x128xi32>
    %slice3A_447 = vector.extract_strided_slice %get3A_4 {offsets = [5120, 0], sizes = [256, 256], strides = [1, 1]} : vector<8192x256xf32> to vector<256x256xf32>
    %dot_general3A_448 = arith.constant dense<0.000000e+00> : vector<512x256xf32>
    %dot_general3A_449 = tpu.matmul %get3A_1, %slice3A_447, %dot_general3A_448 {dimension_numbers = #tpu.dot_dimension_numbers<[1], [1], [0], [0], [0, 0, 1, 0], [], []>, transpose_lhs_hint = false} : vector<512x256xf32>, vector<256x256xf32>, vector<512x256xf32> -> vector<512x256xf32>
    %add3A_450 = vector.broadcast %get3A_7 : vector<512x1xf32> to vector<512x256xf32>
    %add3A_451 = arith.addf %add3A_450, %dot_general3A_449 : vector<512x256xf32>
    %slice3A_452 = vector.extract_strided_slice %get3A_10 {offsets = [0, 5120], sizes = [1, 256], strides = [1, 1]} : vector<1x8192xf32> to vector<1x256xf32>
    %add3A_453 = vector.broadcast %slice3A_452 : vector<1x256xf32> to vector<512x256xf32>
    %add3A_454 = arith.addf %add3A_451, %add3A_453 : vector<512x256xf32>
    %rsqrt3A_455 = math.rsqrt %add3A_454 : vector<512x256xf32>
    %mul3A_456 = arith.mulf %add3A_454, %rsqrt3A_455 : vector<512x256xf32>
    %slice3A_457 = vector.extract_strided_slice %mul3A_456 {offsets = [0, 0], sizes = [512, 128], strides = [1, 1]} : vector<512x256xf32> to vector<512x128xf32>
    %lt3A_458 = arith.cmpf olt, %slice3A_457, %select_n3A_443 : vector<512x128xf32>
    %select_n3A_459 = arith.select %lt3A_458, %slice3A_457, %select_n3A_443 : vector<512x128xi1>, vector<512x128xf32>
    %broadcast_in_dim3A_460 = arith.constant 40 : i32
    %broadcast_in_dim3A_461 = vector.broadcast %broadcast_in_dim3A_460 : i32 to vector<512x128xi32>
    %select_n3A_462 = arith.select %lt3A_458, %broadcast_in_dim3A_461, %select_n3A_446 : vector<512x128xi1>, vector<512x128xi32>
    %slice3A_463 = vector.extract_strided_slice %mul3A_456 {offsets = [0, 128], sizes = [512, 128], strides = [1, 1]} : vector<512x256xf32> to vector<512x128xf32>
    %lt3A_464 = arith.cmpf olt, %slice3A_463, %select_n3A_459 : vector<512x128xf32>
    %select_n3A_465 = arith.select %lt3A_464, %slice3A_463, %select_n3A_459 : vector<512x128xi1>, vector<512x128xf32>
    %broadcast_in_dim3A_466 = arith.constant 41 : i32
    %broadcast_in_dim3A_467 = vector.broadcast %broadcast_in_dim3A_466 : i32 to vector<512x128xi32>
    %select_n3A_468 = arith.select %lt3A_464, %broadcast_in_dim3A_467, %select_n3A_462 : vector<512x128xi1>, vector<512x128xi32>
    %slice3A_469 = vector.extract_strided_slice %get3A_4 {offsets = [5376, 0], sizes = [256, 256], strides = [1, 1]} : vector<8192x256xf32> to vector<256x256xf32>
    %dot_general3A_470 = arith.constant dense<0.000000e+00> : vector<512x256xf32>
    %dot_general3A_471 = tpu.matmul %get3A_1, %slice3A_469, %dot_general3A_470 {dimension_numbers = #tpu.dot_dimension_numbers<[1], [1], [0], [0], [0, 0, 1, 0], [], []>, transpose_lhs_hint = false} : vector<512x256xf32>, vector<256x256xf32>, vector<512x256xf32> -> vector<512x256xf32>
    %add3A_472 = vector.broadcast %get3A_7 : vector<512x1xf32> to vector<512x256xf32>
    %add3A_473 = arith.addf %add3A_472, %dot_general3A_471 : vector<512x256xf32>
    %slice3A_474 = vector.extract_strided_slice %get3A_10 {offsets = [0, 5376], sizes = [1, 256], strides = [1, 1]} : vector<1x8192xf32> to vector<1x256xf32>
    %add3A_475 = vector.broadcast %slice3A_474 : vector<1x256xf32> to vector<512x256xf32>
    %add3A_476 = arith.addf %add3A_473, %add3A_475 : vector<512x256xf32>
    %rsqrt3A_477 = math.rsqrt %add3A_476 : vector<512x256xf32>
    %mul3A_478 = arith.mulf %add3A_476, %rsqrt3A_477 : vector<512x256xf32>
    %slice3A_479 = vector.extract_strided_slice %mul3A_478 {offsets = [0, 0], sizes = [512, 128], strides = [1, 1]} : vector<512x256xf32> to vector<512x128xf32>
    %lt3A_480 = arith.cmpf olt, %slice3A_479, %select_n3A_465 : vector<512x128xf32>
    %select_n3A_481 = arith.select %lt3A_480, %slice3A_479, %select_n3A_465 : vector<512x128xi1>, vector<512x128xf32>
    %broadcast_in_dim3A_482 = arith.constant 42 : i32
    %broadcast_in_dim3A_483 = vector.broadcast %broadcast_in_dim3A_482 : i32 to vector<512x128xi32>
    %select_n3A_484 = arith.select %lt3A_480, %broadcast_in_dim3A_483, %select_n3A_468 : vector<512x128xi1>, vector<512x128xi32>
    %slice3A_485 = vector.extract_strided_slice %mul3A_478 {offsets = [0, 128], sizes = [512, 128], strides = [1, 1]} : vector<512x256xf32> to vector<512x128xf32>
    %lt3A_486 = arith.cmpf olt, %slice3A_485, %select_n3A_481 : vector<512x128xf32>
    %select_n3A_487 = arith.select %lt3A_486, %slice3A_485, %select_n3A_481 : vector<512x128xi1>, vector<512x128xf32>
    %broadcast_in_dim3A_488 = arith.constant 43 : i32
    %broadcast_in_dim3A_489 = vector.broadcast %broadcast_in_dim3A_488 : i32 to vector<512x128xi32>
    %select_n3A_490 = arith.select %lt3A_486, %broadcast_in_dim3A_489, %select_n3A_484 : vector<512x128xi1>, vector<512x128xi32>
    %slice3A_491 = vector.extract_strided_slice %get3A_4 {offsets = [5632, 0], sizes = [256, 256], strides = [1, 1]} : vector<8192x256xf32> to vector<256x256xf32>
    %dot_general3A_492 = arith.constant dense<0.000000e+00> : vector<512x256xf32>
    %dot_general3A_493 = tpu.matmul %get3A_1, %slice3A_491, %dot_general3A_492 {dimension_numbers = #tpu.dot_dimension_numbers<[1], [1], [0], [0], [0, 0, 1, 0], [], []>, transpose_lhs_hint = false} : vector<512x256xf32>, vector<256x256xf32>, vector<512x256xf32> -> vector<512x256xf32>
    %add3A_494 = vector.broadcast %get3A_7 : vector<512x1xf32> to vector<512x256xf32>
    %add3A_495 = arith.addf %add3A_494, %dot_general3A_493 : vector<512x256xf32>
    %slice3A_496 = vector.extract_strided_slice %get3A_10 {offsets = [0, 5632], sizes = [1, 256], strides = [1, 1]} : vector<1x8192xf32> to vector<1x256xf32>
    %add3A_497 = vector.broadcast %slice3A_496 : vector<1x256xf32> to vector<512x256xf32>
    %add3A_498 = arith.addf %add3A_495, %add3A_497 : vector<512x256xf32>
    %rsqrt3A_499 = math.rsqrt %add3A_498 : vector<512x256xf32>
    %mul3A_500 = arith.mulf %add3A_498, %rsqrt3A_499 : vector<512x256xf32>
    %slice3A_501 = vector.extract_strided_slice %mul3A_500 {offsets = [0, 0], sizes = [512, 128], strides = [1, 1]} : vector<512x256xf32> to vector<512x128xf32>
    %lt3A_502 = arith.cmpf olt, %slice3A_501, %select_n3A_487 : vector<512x128xf32>
    %select_n3A_503 = arith.select %lt3A_502, %slice3A_501, %select_n3A_487 : vector<512x128xi1>, vector<512x128xf32>
    %broadcast_in_dim3A_504 = arith.constant 44 : i32
    %broadcast_in_dim3A_505 = vector.broadcast %broadcast_in_dim3A_504 : i32 to vector<512x128xi32>
    %select_n3A_506 = arith.select %lt3A_502, %broadcast_in_dim3A_505, %select_n3A_490 : vector<512x128xi1>, vector<512x128xi32>
    %slice3A_507 = vector.extract_strided_slice %mul3A_500 {offsets = [0, 128], sizes = [512, 128], strides = [1, 1]} : vector<512x256xf32> to vector<512x128xf32>
    %lt3A_508 = arith.cmpf olt, %slice3A_507, %select_n3A_503 : vector<512x128xf32>
    %select_n3A_509 = arith.select %lt3A_508, %slice3A_507, %select_n3A_503 : vector<512x128xi1>, vector<512x128xf32>
    %broadcast_in_dim3A_510 = arith.constant 45 : i32
    %broadcast_in_dim3A_511 = vector.broadcast %broadcast_in_dim3A_510 : i32 to vector<512x128xi32>
    %select_n3A_512 = arith.select %lt3A_508, %broadcast_in_dim3A_511, %select_n3A_506 : vector<512x128xi1>, vector<512x128xi32>
    %slice3A_513 = vector.extract_strided_slice %get3A_4 {offsets = [5888, 0], sizes = [256, 256], strides = [1, 1]} : vector<8192x256xf32> to vector<256x256xf32>
    %dot_general3A_514 = arith.constant dense<0.000000e+00> : vector<512x256xf32>
    %dot_general3A_515 = tpu.matmul %get3A_1, %slice3A_513, %dot_general3A_514 {dimension_numbers = #tpu.dot_dimension_numbers<[1], [1], [0], [0], [0, 0, 1, 0], [], []>, transpose_lhs_hint = false} : vector<512x256xf32>, vector<256x256xf32>, vector<512x256xf32> -> vector<512x256xf32>
    %add3A_516 = vector.broadcast %get3A_7 : vector<512x1xf32> to vector<512x256xf32>
    %add3A_517 = arith.addf %add3A_516, %dot_general3A_515 : vector<512x256xf32>
    %slice3A_518 = vector.extract_strided_slice %get3A_10 {offsets = [0, 5888], sizes = [1, 256], strides = [1, 1]} : vector<1x8192xf32> to vector<1x256xf32>
    %add3A_519 = vector.broadcast %slice3A_518 : vector<1x256xf32> to vector<512x256xf32>
    %add3A_520 = arith.addf %add3A_517, %add3A_519 : vector<512x256xf32>
    %rsqrt3A_521 = math.rsqrt %add3A_520 : vector<512x256xf32>
    %mul3A_522 = arith.mulf %add3A_520, %rsqrt3A_521 : vector<512x256xf32>
    %slice3A_523 = vector.extract_strided_slice %mul3A_522 {offsets = [0, 0], sizes = [512, 128], strides = [1, 1]} : vector<512x256xf32> to vector<512x128xf32>
    %lt3A_524 = arith.cmpf olt, %slice3A_523, %select_n3A_509 : vector<512x128xf32>
    %select_n3A_525 = arith.select %lt3A_524, %slice3A_523, %select_n3A_509 : vector<512x128xi1>, vector<512x128xf32>
    %broadcast_in_dim3A_526 = arith.constant 46 : i32
    %broadcast_in_dim3A_527 = vector.broadcast %broadcast_in_dim3A_526 : i32 to vector<512x128xi32>
    %select_n3A_528 = arith.select %lt3A_524, %broadcast_in_dim3A_527, %select_n3A_512 : vector<512x128xi1>, vector<512x128xi32>
    %slice3A_529 = vector.extract_strided_slice %mul3A_522 {offsets = [0, 128], sizes = [512, 128], strides = [1, 1]} : vector<512x256xf32> to vector<512x128xf32>
    %lt3A_530 = arith.cmpf olt, %slice3A_529, %select_n3A_525 : vector<512x128xf32>
    %select_n3A_531 = arith.select %lt3A_530, %slice3A_529, %select_n3A_525 : vector<512x128xi1>, vector<512x128xf32>
    %broadcast_in_dim3A_532 = arith.constant 47 : i32
    %broadcast_in_dim3A_533 = vector.broadcast %broadcast_in_dim3A_532 : i32 to vector<512x128xi32>
    %select_n3A_534 = arith.select %lt3A_530, %broadcast_in_dim3A_533, %select_n3A_528 : vector<512x128xi1>, vector<512x128xi32>
    %slice3A_535 = vector.extract_strided_slice %get3A_4 {offsets = [6144, 0], sizes = [256, 256], strides = [1, 1]} : vector<8192x256xf32> to vector<256x256xf32>
    %dot_general3A_536 = arith.constant dense<0.000000e+00> : vector<512x256xf32>
    %dot_general3A_537 = tpu.matmul %get3A_1, %slice3A_535, %dot_general3A_536 {dimension_numbers = #tpu.dot_dimension_numbers<[1], [1], [0], [0], [0, 0, 1, 0], [], []>, transpose_lhs_hint = false} : vector<512x256xf32>, vector<256x256xf32>, vector<512x256xf32> -> vector<512x256xf32>
    %add3A_538 = vector.broadcast %get3A_7 : vector<512x1xf32> to vector<512x256xf32>
    %add3A_539 = arith.addf %add3A_538, %dot_general3A_537 : vector<512x256xf32>
    %slice3A_540 = vector.extract_strided_slice %get3A_10 {offsets = [0, 6144], sizes = [1, 256], strides = [1, 1]} : vector<1x8192xf32> to vector<1x256xf32>
    %add3A_541 = vector.broadcast %slice3A_540 : vector<1x256xf32> to vector<512x256xf32>
    %add3A_542 = arith.addf %add3A_539, %add3A_541 : vector<512x256xf32>
    %rsqrt3A_543 = math.rsqrt %add3A_542 : vector<512x256xf32>
    %mul3A_544 = arith.mulf %add3A_542, %rsqrt3A_543 : vector<512x256xf32>
    %slice3A_545 = vector.extract_strided_slice %mul3A_544 {offsets = [0, 0], sizes = [512, 128], strides = [1, 1]} : vector<512x256xf32> to vector<512x128xf32>
    %lt3A_546 = arith.cmpf olt, %slice3A_545, %select_n3A_531 : vector<512x128xf32>
    %select_n3A_547 = arith.select %lt3A_546, %slice3A_545, %select_n3A_531 : vector<512x128xi1>, vector<512x128xf32>
    %broadcast_in_dim3A_548 = arith.constant 48 : i32
    %broadcast_in_dim3A_549 = vector.broadcast %broadcast_in_dim3A_548 : i32 to vector<512x128xi32>
    %select_n3A_550 = arith.select %lt3A_546, %broadcast_in_dim3A_549, %select_n3A_534 : vector<512x128xi1>, vector<512x128xi32>
    %slice3A_551 = vector.extract_strided_slice %mul3A_544 {offsets = [0, 128], sizes = [512, 128], strides = [1, 1]} : vector<512x256xf32> to vector<512x128xf32>
    %lt3A_552 = arith.cmpf olt, %slice3A_551, %select_n3A_547 : vector<512x128xf32>
    %select_n3A_553 = arith.select %lt3A_552, %slice3A_551, %select_n3A_547 : vector<512x128xi1>, vector<512x128xf32>
    %broadcast_in_dim3A_554 = arith.constant 49 : i32
    %broadcast_in_dim3A_555 = vector.broadcast %broadcast_in_dim3A_554 : i32 to vector<512x128xi32>
    %select_n3A_556 = arith.select %lt3A_552, %broadcast_in_dim3A_555, %select_n3A_550 : vector<512x128xi1>, vector<512x128xi32>
    %slice3A_557 = vector.extract_strided_slice %get3A_4 {offsets = [6400, 0], sizes = [256, 256], strides = [1, 1]} : vector<8192x256xf32> to vector<256x256xf32>
    %dot_general3A_558 = arith.constant dense<0.000000e+00> : vector<512x256xf32>
    %dot_general3A_559 = tpu.matmul %get3A_1, %slice3A_557, %dot_general3A_558 {dimension_numbers = #tpu.dot_dimension_numbers<[1], [1], [0], [0], [0, 0, 1, 0], [], []>, transpose_lhs_hint = false} : vector<512x256xf32>, vector<256x256xf32>, vector<512x256xf32> -> vector<512x256xf32>
    %add3A_560 = vector.broadcast %get3A_7 : vector<512x1xf32> to vector<512x256xf32>
    %add3A_561 = arith.addf %add3A_560, %dot_general3A_559 : vector<512x256xf32>
    %slice3A_562 = vector.extract_strided_slice %get3A_10 {offsets = [0, 6400], sizes = [1, 256], strides = [1, 1]} : vector<1x8192xf32> to vector<1x256xf32>
    %add3A_563 = vector.broadcast %slice3A_562 : vector<1x256xf32> to vector<512x256xf32>
    %add3A_564 = arith.addf %add3A_561, %add3A_563 : vector<512x256xf32>
    %rsqrt3A_565 = math.rsqrt %add3A_564 : vector<512x256xf32>
    %mul3A_566 = arith.mulf %add3A_564, %rsqrt3A_565 : vector<512x256xf32>
    %slice3A_567 = vector.extract_strided_slice %mul3A_566 {offsets = [0, 0], sizes = [512, 128], strides = [1, 1]} : vector<512x256xf32> to vector<512x128xf32>
    %lt3A_568 = arith.cmpf olt, %slice3A_567, %select_n3A_553 : vector<512x128xf32>
    %select_n3A_569 = arith.select %lt3A_568, %slice3A_567, %select_n3A_553 : vector<512x128xi1>, vector<512x128xf32>
    %broadcast_in_dim3A_570 = arith.constant 50 : i32
    %broadcast_in_dim3A_571 = vector.broadcast %broadcast_in_dim3A_570 : i32 to vector<512x128xi32>
    %select_n3A_572 = arith.select %lt3A_568, %broadcast_in_dim3A_571, %select_n3A_556 : vector<512x128xi1>, vector<512x128xi32>
    %slice3A_573 = vector.extract_strided_slice %mul3A_566 {offsets = [0, 128], sizes = [512, 128], strides = [1, 1]} : vector<512x256xf32> to vector<512x128xf32>
    %lt3A_574 = arith.cmpf olt, %slice3A_573, %select_n3A_569 : vector<512x128xf32>
    %select_n3A_575 = arith.select %lt3A_574, %slice3A_573, %select_n3A_569 : vector<512x128xi1>, vector<512x128xf32>
    %broadcast_in_dim3A_576 = arith.constant 51 : i32
    %broadcast_in_dim3A_577 = vector.broadcast %broadcast_in_dim3A_576 : i32 to vector<512x128xi32>
    %select_n3A_578 = arith.select %lt3A_574, %broadcast_in_dim3A_577, %select_n3A_572 : vector<512x128xi1>, vector<512x128xi32>
    %slice3A_579 = vector.extract_strided_slice %get3A_4 {offsets = [6656, 0], sizes = [256, 256], strides = [1, 1]} : vector<8192x256xf32> to vector<256x256xf32>
    %dot_general3A_580 = arith.constant dense<0.000000e+00> : vector<512x256xf32>
    %dot_general3A_581 = tpu.matmul %get3A_1, %slice3A_579, %dot_general3A_580 {dimension_numbers = #tpu.dot_dimension_numbers<[1], [1], [0], [0], [0, 0, 1, 0], [], []>, transpose_lhs_hint = false} : vector<512x256xf32>, vector<256x256xf32>, vector<512x256xf32> -> vector<512x256xf32>
    %add3A_582 = vector.broadcast %get3A_7 : vector<512x1xf32> to vector<512x256xf32>
    %add3A_583 = arith.addf %add3A_582, %dot_general3A_581 : vector<512x256xf32>
    %slice3A_584 = vector.extract_strided_slice %get3A_10 {offsets = [0, 6656], sizes = [1, 256], strides = [1, 1]} : vector<1x8192xf32> to vector<1x256xf32>
    %add3A_585 = vector.broadcast %slice3A_584 : vector<1x256xf32> to vector<512x256xf32>
    %add3A_586 = arith.addf %add3A_583, %add3A_585 : vector<512x256xf32>
    %rsqrt3A_587 = math.rsqrt %add3A_586 : vector<512x256xf32>
    %mul3A_588 = arith.mulf %add3A_586, %rsqrt3A_587 : vector<512x256xf32>
    %slice3A_589 = vector.extract_strided_slice %mul3A_588 {offsets = [0, 0], sizes = [512, 128], strides = [1, 1]} : vector<512x256xf32> to vector<512x128xf32>
    %lt3A_590 = arith.cmpf olt, %slice3A_589, %select_n3A_575 : vector<512x128xf32>
    %select_n3A_591 = arith.select %lt3A_590, %slice3A_589, %select_n3A_575 : vector<512x128xi1>, vector<512x128xf32>
    %broadcast_in_dim3A_592 = arith.constant 52 : i32
    %broadcast_in_dim3A_593 = vector.broadcast %broadcast_in_dim3A_592 : i32 to vector<512x128xi32>
    %select_n3A_594 = arith.select %lt3A_590, %broadcast_in_dim3A_593, %select_n3A_578 : vector<512x128xi1>, vector<512x128xi32>
    %slice3A_595 = vector.extract_strided_slice %mul3A_588 {offsets = [0, 128], sizes = [512, 128], strides = [1, 1]} : vector<512x256xf32> to vector<512x128xf32>
    %lt3A_596 = arith.cmpf olt, %slice3A_595, %select_n3A_591 : vector<512x128xf32>
    %select_n3A_597 = arith.select %lt3A_596, %slice3A_595, %select_n3A_591 : vector<512x128xi1>, vector<512x128xf32>
    %broadcast_in_dim3A_598 = arith.constant 53 : i32
    %broadcast_in_dim3A_599 = vector.broadcast %broadcast_in_dim3A_598 : i32 to vector<512x128xi32>
    %select_n3A_600 = arith.select %lt3A_596, %broadcast_in_dim3A_599, %select_n3A_594 : vector<512x128xi1>, vector<512x128xi32>
    %slice3A_601 = vector.extract_strided_slice %get3A_4 {offsets = [6912, 0], sizes = [256, 256], strides = [1, 1]} : vector<8192x256xf32> to vector<256x256xf32>
    %dot_general3A_602 = arith.constant dense<0.000000e+00> : vector<512x256xf32>
    %dot_general3A_603 = tpu.matmul %get3A_1, %slice3A_601, %dot_general3A_602 {dimension_numbers = #tpu.dot_dimension_numbers<[1], [1], [0], [0], [0, 0, 1, 0], [], []>, transpose_lhs_hint = false} : vector<512x256xf32>, vector<256x256xf32>, vector<512x256xf32> -> vector<512x256xf32>
    %add3A_604 = vector.broadcast %get3A_7 : vector<512x1xf32> to vector<512x256xf32>
    %add3A_605 = arith.addf %add3A_604, %dot_general3A_603 : vector<512x256xf32>
    %slice3A_606 = vector.extract_strided_slice %get3A_10 {offsets = [0, 6912], sizes = [1, 256], strides = [1, 1]} : vector<1x8192xf32> to vector<1x256xf32>
    %add3A_607 = vector.broadcast %slice3A_606 : vector<1x256xf32> to vector<512x256xf32>
    %add3A_608 = arith.addf %add3A_605, %add3A_607 : vector<512x256xf32>
    %rsqrt3A_609 = math.rsqrt %add3A_608 : vector<512x256xf32>
    %mul3A_610 = arith.mulf %add3A_608, %rsqrt3A_609 : vector<512x256xf32>
    %slice3A_611 = vector.extract_strided_slice %mul3A_610 {offsets = [0, 0], sizes = [512, 128], strides = [1, 1]} : vector<512x256xf32> to vector<512x128xf32>
    %lt3A_612 = arith.cmpf olt, %slice3A_611, %select_n3A_597 : vector<512x128xf32>
    %select_n3A_613 = arith.select %lt3A_612, %slice3A_611, %select_n3A_597 : vector<512x128xi1>, vector<512x128xf32>
    %broadcast_in_dim3A_614 = arith.constant 54 : i32
    %broadcast_in_dim3A_615 = vector.broadcast %broadcast_in_dim3A_614 : i32 to vector<512x128xi32>
    %select_n3A_616 = arith.select %lt3A_612, %broadcast_in_dim3A_615, %select_n3A_600 : vector<512x128xi1>, vector<512x128xi32>
    %slice3A_617 = vector.extract_strided_slice %mul3A_610 {offsets = [0, 128], sizes = [512, 128], strides = [1, 1]} : vector<512x256xf32> to vector<512x128xf32>
    %lt3A_618 = arith.cmpf olt, %slice3A_617, %select_n3A_613 : vector<512x128xf32>
    %select_n3A_619 = arith.select %lt3A_618, %slice3A_617, %select_n3A_613 : vector<512x128xi1>, vector<512x128xf32>
    %broadcast_in_dim3A_620 = arith.constant 55 : i32
    %broadcast_in_dim3A_621 = vector.broadcast %broadcast_in_dim3A_620 : i32 to vector<512x128xi32>
    %select_n3A_622 = arith.select %lt3A_618, %broadcast_in_dim3A_621, %select_n3A_616 : vector<512x128xi1>, vector<512x128xi32>
    %slice3A_623 = vector.extract_strided_slice %get3A_4 {offsets = [7168, 0], sizes = [256, 256], strides = [1, 1]} : vector<8192x256xf32> to vector<256x256xf32>
    %dot_general3A_624 = arith.constant dense<0.000000e+00> : vector<512x256xf32>
    %dot_general3A_625 = tpu.matmul %get3A_1, %slice3A_623, %dot_general3A_624 {dimension_numbers = #tpu.dot_dimension_numbers<[1], [1], [0], [0], [0, 0, 1, 0], [], []>, transpose_lhs_hint = false} : vector<512x256xf32>, vector<256x256xf32>, vector<512x256xf32> -> vector<512x256xf32>
    %add3A_626 = vector.broadcast %get3A_7 : vector<512x1xf32> to vector<512x256xf32>
    %add3A_627 = arith.addf %add3A_626, %dot_general3A_625 : vector<512x256xf32>
    %slice3A_628 = vector.extract_strided_slice %get3A_10 {offsets = [0, 7168], sizes = [1, 256], strides = [1, 1]} : vector<1x8192xf32> to vector<1x256xf32>
    %add3A_629 = vector.broadcast %slice3A_628 : vector<1x256xf32> to vector<512x256xf32>
    %add3A_630 = arith.addf %add3A_627, %add3A_629 : vector<512x256xf32>
    %rsqrt3A_631 = math.rsqrt %add3A_630 : vector<512x256xf32>
    %mul3A_632 = arith.mulf %add3A_630, %rsqrt3A_631 : vector<512x256xf32>
    %slice3A_633 = vector.extract_strided_slice %mul3A_632 {offsets = [0, 0], sizes = [512, 128], strides = [1, 1]} : vector<512x256xf32> to vector<512x128xf32>
    %lt3A_634 = arith.cmpf olt, %slice3A_633, %select_n3A_619 : vector<512x128xf32>
    %select_n3A_635 = arith.select %lt3A_634, %slice3A_633, %select_n3A_619 : vector<512x128xi1>, vector<512x128xf32>
    %broadcast_in_dim3A_636 = arith.constant 56 : i32
    %broadcast_in_dim3A_637 = vector.broadcast %broadcast_in_dim3A_636 : i32 to vector<512x128xi32>
    %select_n3A_638 = arith.select %lt3A_634, %broadcast_in_dim3A_637, %select_n3A_622 : vector<512x128xi1>, vector<512x128xi32>
    %slice3A_639 = vector.extract_strided_slice %mul3A_632 {offsets = [0, 128], sizes = [512, 128], strides = [1, 1]} : vector<512x256xf32> to vector<512x128xf32>
    %lt3A_640 = arith.cmpf olt, %slice3A_639, %select_n3A_635 : vector<512x128xf32>
    %select_n3A_641 = arith.select %lt3A_640, %slice3A_639, %select_n3A_635 : vector<512x128xi1>, vector<512x128xf32>
    %broadcast_in_dim3A_642 = arith.constant 57 : i32
    %broadcast_in_dim3A_643 = vector.broadcast %broadcast_in_dim3A_642 : i32 to vector<512x128xi32>
    %select_n3A_644 = arith.select %lt3A_640, %broadcast_in_dim3A_643, %select_n3A_638 : vector<512x128xi1>, vector<512x128xi32>
    %slice3A_645 = vector.extract_strided_slice %get3A_4 {offsets = [7424, 0], sizes = [256, 256], strides = [1, 1]} : vector<8192x256xf32> to vector<256x256xf32>
    %dot_general3A_646 = arith.constant dense<0.000000e+00> : vector<512x256xf32>
    %dot_general3A_647 = tpu.matmul %get3A_1, %slice3A_645, %dot_general3A_646 {dimension_numbers = #tpu.dot_dimension_numbers<[1], [1], [0], [0], [0, 0, 1, 0], [], []>, transpose_lhs_hint = false} : vector<512x256xf32>, vector<256x256xf32>, vector<512x256xf32> -> vector<512x256xf32>
    %add3A_648 = vector.broadcast %get3A_7 : vector<512x1xf32> to vector<512x256xf32>
    %add3A_649 = arith.addf %add3A_648, %dot_general3A_647 : vector<512x256xf32>
    %slice3A_650 = vector.extract_strided_slice %get3A_10 {offsets = [0, 7424], sizes = [1, 256], strides = [1, 1]} : vector<1x8192xf32> to vector<1x256xf32>
    %add3A_651 = vector.broadcast %slice3A_650 : vector<1x256xf32> to vector<512x256xf32>
    %add3A_652 = arith.addf %add3A_649, %add3A_651 : vector<512x256xf32>
    %rsqrt3A_653 = math.rsqrt %add3A_652 : vector<512x256xf32>
    %mul3A_654 = arith.mulf %add3A_652, %rsqrt3A_653 : vector<512x256xf32>
    %slice3A_655 = vector.extract_strided_slice %mul3A_654 {offsets = [0, 0], sizes = [512, 128], strides = [1, 1]} : vector<512x256xf32> to vector<512x128xf32>
    %lt3A_656 = arith.cmpf olt, %slice3A_655, %select_n3A_641 : vector<512x128xf32>
    %select_n3A_657 = arith.select %lt3A_656, %slice3A_655, %select_n3A_641 : vector<512x128xi1>, vector<512x128xf32>
    %broadcast_in_dim3A_658 = arith.constant 58 : i32
    %broadcast_in_dim3A_659 = vector.broadcast %broadcast_in_dim3A_658 : i32 to vector<512x128xi32>
    %select_n3A_660 = arith.select %lt3A_656, %broadcast_in_dim3A_659, %select_n3A_644 : vector<512x128xi1>, vector<512x128xi32>
    %slice3A_661 = vector.extract_strided_slice %mul3A_654 {offsets = [0, 128], sizes = [512, 128], strides = [1, 1]} : vector<512x256xf32> to vector<512x128xf32>
    %lt3A_662 = arith.cmpf olt, %slice3A_661, %select_n3A_657 : vector<512x128xf32>
    %select_n3A_663 = arith.select %lt3A_662, %slice3A_661, %select_n3A_657 : vector<512x128xi1>, vector<512x128xf32>
    %broadcast_in_dim3A_664 = arith.constant 59 : i32
    %broadcast_in_dim3A_665 = vector.broadcast %broadcast_in_dim3A_664 : i32 to vector<512x128xi32>
    %select_n3A_666 = arith.select %lt3A_662, %broadcast_in_dim3A_665, %select_n3A_660 : vector<512x128xi1>, vector<512x128xi32>
    %slice3A_667 = vector.extract_strided_slice %get3A_4 {offsets = [7680, 0], sizes = [256, 256], strides = [1, 1]} : vector<8192x256xf32> to vector<256x256xf32>
    %dot_general3A_668 = arith.constant dense<0.000000e+00> : vector<512x256xf32>
    %dot_general3A_669 = tpu.matmul %get3A_1, %slice3A_667, %dot_general3A_668 {dimension_numbers = #tpu.dot_dimension_numbers<[1], [1], [0], [0], [0, 0, 1, 0], [], []>, transpose_lhs_hint = false} : vector<512x256xf32>, vector<256x256xf32>, vector<512x256xf32> -> vector<512x256xf32>
    %add3A_670 = vector.broadcast %get3A_7 : vector<512x1xf32> to vector<512x256xf32>
    %add3A_671 = arith.addf %add3A_670, %dot_general3A_669 : vector<512x256xf32>
    %slice3A_672 = vector.extract_strided_slice %get3A_10 {offsets = [0, 7680], sizes = [1, 256], strides = [1, 1]} : vector<1x8192xf32> to vector<1x256xf32>
    %add3A_673 = vector.broadcast %slice3A_672 : vector<1x256xf32> to vector<512x256xf32>
    %add3A_674 = arith.addf %add3A_671, %add3A_673 : vector<512x256xf32>
    %rsqrt3A_675 = math.rsqrt %add3A_674 : vector<512x256xf32>
    %mul3A_676 = arith.mulf %add3A_674, %rsqrt3A_675 : vector<512x256xf32>
    %slice3A_677 = vector.extract_strided_slice %mul3A_676 {offsets = [0, 0], sizes = [512, 128], strides = [1, 1]} : vector<512x256xf32> to vector<512x128xf32>
    %lt3A_678 = arith.cmpf olt, %slice3A_677, %select_n3A_663 : vector<512x128xf32>
    %select_n3A_679 = arith.select %lt3A_678, %slice3A_677, %select_n3A_663 : vector<512x128xi1>, vector<512x128xf32>
    %broadcast_in_dim3A_680 = arith.constant 60 : i32
    %broadcast_in_dim3A_681 = vector.broadcast %broadcast_in_dim3A_680 : i32 to vector<512x128xi32>
    %select_n3A_682 = arith.select %lt3A_678, %broadcast_in_dim3A_681, %select_n3A_666 : vector<512x128xi1>, vector<512x128xi32>
    %slice3A_683 = vector.extract_strided_slice %mul3A_676 {offsets = [0, 128], sizes = [512, 128], strides = [1, 1]} : vector<512x256xf32> to vector<512x128xf32>
    %lt3A_684 = arith.cmpf olt, %slice3A_683, %select_n3A_679 : vector<512x128xf32>
    %select_n3A_685 = arith.select %lt3A_684, %slice3A_683, %select_n3A_679 : vector<512x128xi1>, vector<512x128xf32>
    %broadcast_in_dim3A_686 = arith.constant 61 : i32
    %broadcast_in_dim3A_687 = vector.broadcast %broadcast_in_dim3A_686 : i32 to vector<512x128xi32>
    %select_n3A_688 = arith.select %lt3A_684, %broadcast_in_dim3A_687, %select_n3A_682 : vector<512x128xi1>, vector<512x128xi32>
    %slice3A_689 = vector.extract_strided_slice %get3A_4 {offsets = [7936, 0], sizes = [256, 256], strides = [1, 1]} : vector<8192x256xf32> to vector<256x256xf32>
    %dot_general3A_690 = arith.constant dense<0.000000e+00> : vector<512x256xf32>
    %dot_general3A_691 = tpu.matmul %get3A_1, %slice3A_689, %dot_general3A_690 {dimension_numbers = #tpu.dot_dimension_numbers<[1], [1], [0], [0], [0, 0, 1, 0], [], []>, transpose_lhs_hint = false} : vector<512x256xf32>, vector<256x256xf32>, vector<512x256xf32> -> vector<512x256xf32>
    %add3A_692 = vector.broadcast %get3A_7 : vector<512x1xf32> to vector<512x256xf32>
    %add3A_693 = arith.addf %add3A_692, %dot_general3A_691 : vector<512x256xf32>
    %slice3A_694 = vector.extract_strided_slice %get3A_10 {offsets = [0, 7936], sizes = [1, 256], strides = [1, 1]} : vector<1x8192xf32> to vector<1x256xf32>
    %add3A_695 = vector.broadcast %slice3A_694 : vector<1x256xf32> to vector<512x256xf32>
    %add3A_696 = arith.addf %add3A_693, %add3A_695 : vector<512x256xf32>
    %rsqrt3A_697 = math.rsqrt %add3A_696 : vector<512x256xf32>
    %mul3A_698 = arith.mulf %add3A_696, %rsqrt3A_697 : vector<512x256xf32>
    %slice3A_699 = vector.extract_strided_slice %mul3A_698 {offsets = [0, 0], sizes = [512, 128], strides = [1, 1]} : vector<512x256xf32> to vector<512x128xf32>
    %lt3A_700 = arith.cmpf olt, %slice3A_699, %select_n3A_685 : vector<512x128xf32>
    %select_n3A_701 = arith.select %lt3A_700, %slice3A_699, %select_n3A_685 : vector<512x128xi1>, vector<512x128xf32>
    %broadcast_in_dim3A_702 = arith.constant 62 : i32
    %broadcast_in_dim3A_703 = vector.broadcast %broadcast_in_dim3A_702 : i32 to vector<512x128xi32>
    %select_n3A_704 = arith.select %lt3A_700, %broadcast_in_dim3A_703, %select_n3A_688 : vector<512x128xi1>, vector<512x128xi32>
    %slice3A_705 = vector.extract_strided_slice %mul3A_698 {offsets = [0, 128], sizes = [512, 128], strides = [1, 1]} : vector<512x256xf32> to vector<512x128xf32>
    %lt3A_706 = arith.cmpf olt, %slice3A_705, %select_n3A_701 : vector<512x128xf32>
    %select_n3A_707 = arith.select %lt3A_706, %slice3A_705, %select_n3A_701 : vector<512x128xi1>, vector<512x128xf32>
    %broadcast_in_dim3A_708 = arith.constant 63 : i32
    %broadcast_in_dim3A_709 = vector.broadcast %broadcast_in_dim3A_708 : i32 to vector<512x128xi32>
    %select_n3A_710 = arith.select %lt3A_706, %broadcast_in_dim3A_709, %select_n3A_704 : vector<512x128xi1>, vector<512x128xi32>
    %iota3A = tpu.iota {dimensions = array<i32: 1>} : vector<512x128xi32>
    %reduce_min3A = arith.constant dense<0x7F800000> : vector<512xf32>
    %reduce_min3A_711 = vector.multi_reduction <minimumf>, %select_n3A_707, %reduce_min3A [1] : vector<512x128xf32> to vector<512xf32>
    %broadcast_in_dim3A_712 = vector.shape_cast %reduce_min3A_711 : vector<512xf32> to vector<512x1xf32>
    %mul3A_713 = arith.constant 128 : i32
    %mul3A_714 = vector.broadcast %mul3A_713 : i32 to vector<512x128xi32>
    %mul3A_715 = arith.muli %select_n3A_710, %mul3A_714 : vector<512x128xi32>
    %add3A_716 = arith.addi %mul3A_715, %iota3A : vector<512x128xi32>
    %le3A = vector.broadcast %broadcast_in_dim3A_712 : vector<512x1xf32> to vector<512x128xf32>
    %le3A_717 = arith.cmpf ole, %select_n3A_707, %le3A : vector<512x128xf32>
    %jit3A = arith.constant 8192 : i32
    %broadcast_in_dim3A_718 = vector.broadcast %jit3A : i32 to vector<512x128xi32>
    %select_n3A_719 = arith.select %le3A_717, %add3A_716, %broadcast_in_dim3A_718 : vector<512x128xi1>, vector<512x128xi32>
    %reduce_min3A_720 = arith.constant dense<2147483647> : vector<512xi32>
    %reduce_min3A_721 = vector.multi_reduction <minsi>, %select_n3A_719, %reduce_min3A_720 [1] : vector<512x128xi32> to vector<512xi32>
    %broadcast_in_dim3A_722 = vector.shape_cast %reduce_min3A_721 : vector<512xi32> to vector<512x1xi32>
    %swap3A = arith.constant 0 : index
    %swap3A_723 = arith.constant 0 : index
    %swap3A_724 = vector.load %arg5[%swap3A, %swap3A_723] : memref<512x1xi32, #tpu.memory_space<vmem>>, vector<512x1xi32>
    tpu.vector_store %arg5[%swap3A, %swap3A_723], %broadcast_in_dim3A_722 {strides = array<i32>} : memref<512x1xi32, #tpu.memory_space<vmem>>, vector<512x1xi32>,
    return
  }
  func.func @transform_0(%arg0: i32) -> (i32, i32) {
    %c0_i32 = arith.constant 0 : i32
    %c0_i32_0 = arith.constant 0 : i32
    return %arg0, %c0_i32 : i32, i32
  }
  func.func @transform_1(%arg0: i32) -> (i32, i32) {
    %c0_i32 = arith.constant 0 : i32
    %c0_i32_0 = arith.constant 0 : i32
    %c0_i32_1 = arith.constant 0 : i32
    return %c0_i32, %c0_i32_0 : i32, i32
  }
  func.func @transform_2(%arg0: i32) -> (i32, i32) {
    %c0_i32 = arith.constant 0 : i32
    %c0_i32_0 = arith.constant 0 : i32
    return %arg0, %c0_i32 : i32, i32
  }
  func.func @transform_3(%arg0: i32) -> (i32, i32) {
    %c0_i32 = arith.constant 0 : i32
    %c0_i32_0 = arith.constant 0 : i32
    %c0_i32_1 = arith.constant 0 : i32
    return %c0_i32, %c0_i32_0 : i32, i32
  }
  func.func @transform_4(%arg0: i32) -> (i32, i32) {
    %c0_i32 = arith.constant 0 : i32
    %c0_i32_0 = arith.constant 0 : i32
    return %arg0, %c0_i32 : i32, i32
  }
}

</mosaic_0001>

<sc_bundles>
// kernel: kernel.4.cloned.1.call-start
scs
__scs_entry_jumppad:
0x0: {  	(pc) =	sbr.rel $0x88, $3  }
0x1: {  	(tag) =	ssettag $0x0;
	lr =	simm.s32 $0x1  }
0x2: {  	[smem:$0x3F9E] =	sst lr;
	_ =	strace $0xD0000000  }
0x3: {  	_ = 	snop  }
0x4: {  	_ = 	snop  }
0x5: {  	_ = 	snop  }
0x6: {  	_ = 	snop  }
0x7: {  	_ = 	snop  }
__scs_overlays_trampoline_lowered:
0x8: {  	[smem:$0x3FAD] =	sst s0  }
0x9: {  	[smem:$0x3FAE] =	sst s1  }
0xa: {  	[smem:$0x3FAF] =	sst s2  }
0xb: {  	[smem:$0x3FB0] =	sst s3  }
0xc: {  	[smem:$0x3FB1] =	sst s4  }
0xd: {  	[smem:$0x3FB2] =	sst s5  }
0xe: {  	[smem:$0x3FB3] =	sst s6  }
0xf: {  	[smem:$0x3FB4] =	sst s7  }
0x10: {  	[smem:$0x3FB5] =	sst s8  }
0x11: {  	[smem:$0x3FB6] =	sst s9;
	s0 =	simm.s32 @!p0 $0x0  }
0x12: {  	s1 =	sld [smem:$0x3F9C];
	s0 =	simm.s32 @p0 $0x1  }
0x13: {  	[smem:$0x3FB7] =	sst s0;
	s0 =	simm.s32 @!p1 $0x0  }
0x14: {  	s2 =	sld [smem:$0x3F9B];
	s0 =	simm.s32 @p1 $0x1  }
0x15: {  	[smem:$0x3FB8] =	sst s0;
	s0 =	simm.s32 @!p2 $0x0  }
0x16: {  	s3 =	sld [smem:$0x3FDB];
	s0 =	simm.s32 @p2 $0x1  }
0x17: {  	s4 =	simm.s32 $0x1BF5;
	[smem:$0x3FBA] =	sst s0  }
0x18: {  	s0 =	sld [smem:$0x3F9D];
	_ =	swait.ge [sflag:s4], $0x0  }
0x19: {  	s7 =	sld [smem:$0x3F9E]  }
0x1a: {  	s8 =	sadd.s32 $0xFFFFE003, lr  }
0x1b: {  	s9 =	sadd.s32 $0xFFFFFEF7, lr;
	s5 =	simm.s32 $0xFFFFFFFF;
	p2 =	slt.u32 s8, $0xFFFFF086  }
0x1c: {  	p1 =	slt.u32 s9, $0xF7A;
	s5 =	simm.s32 @!p2 $0x0  }
0x1d: {  	s5 =	simm.s32 @p1 $0x1;
	p0 =	seq.s32 s7, s2  }
0x1e: {  	s7 =	smul.u32 @!p0 $0xF7A, s2;
	p2 =	seq.s32 @!p0 s5, $0x0  }
0x1f: {  	s9 =	smul.u32 $0xF7A, s1;
	s8 =	simm.s32 @!p0 $0x1BF5;
	p2 =	por !p2, p0  }
0x20: {  	[sflag:s8] =	ssyncset.s32 @!p0 $0xFFFFF086;
	s6 =	sadd.s32 @!p0 s3, s7;
	s7 =	simm.s32 @!p0 $0x108  }
0x21: {  	s3 =	sadd.s32 s3, s9;
	s6 =	sadd.s32 @!p0 $0x88, s6;
	s7 =	simm.s32 @p2 $0x1082  }
0x22: {  	[simem:s7], [sflag:s8] =	dma.local @!p0 [hbm:s6], $0xF7A  }
0x23: {  	s9 =	sor.u32 $0xD0000000, s2;
	s6 =	simm.s32 $0x108;
	_ =	swait.ge @!p0 [sflag:s8], $0x0  }
0x24: {  	s3 =	sadd.s32 $0x88, s3;
	s6 =	simm.s32 @!p1 $0x1082;
	[sflag:s4] =	ssyncset.s32 $0xFFFFF086  }
0x25: {  	[simem:s6], [sflag:s4] =	dma.local [hbm:s3], $0xF7A  }
0x26: {  	[smem:$0x3F9E] =	sst s1;
	(tag) =	ssettag s2;
	_ =	strace s9  }
0x27: {  	s1 =	sld [smem:$0x3FAE]  }
0x28: {  	s2 =	sld [smem:$0x3FAF]  }
0x29: {  	s4 =	sld [smem:$0x3FB1]  }
0x2a: {  	p0 =	seq.s32 s5, $0x0;
	s5 =	sld [smem:$0x3FB2]  }
0x2b: {  	s6 =	sld [smem:$0x3FB3]  }
0x2c: {  	s7 =	sld [smem:$0x3FB4]  }
0x2d: {  	s3 =	simm.s32 $0x108;
	s8 =	sld [smem:$0x3FB5]  }
0x2e: {  	s3 =	simm.s32 @!p0 $0x1082;
	s9 =	sld [smem:$0x3FB6]  }
0x2f: {  	lr =	sadd.s32 s0, s3;
	s0 =	sld [smem:$0x3FAD]  }
0x30: {  	s3 =	sld [smem:$0x3FB0]  }
0x31: {  	[smem:$0x3FB9] =	sst s10  }
0x32: {  	s10 =	sld [smem:$0x3FB7];
	_ =	sdelay $0x3  }
0x33: {  	p0 =	seq.s32 s10, $0x1;
	s10 =	sld [smem:$0x3FB9];
	_ =	sdelay $0x3  }
0x34: {  	[smem:$0x3FB9] =	sst s10  }
0x35: {  	s10 =	sld [smem:$0x3FB8];
	_ =	sdelay $0x3  }
0x36: {  	p1 =	seq.s32 s10, $0x1;
	s10 =	sld [smem:$0x3FB9];
	_ =	sdelay $0x3  }
0x37: {  	[smem:$0x3FB9] =	sst s10  }
0x38: {  	s10 =	sld [smem:$0x3FBA]  }
0x39: {  	_ = 	snop;
	(pc) =	sbr.ind lr, $3  }
0x3a: {  	_ = 	snop  }
0x3b: {  	_ = 	snop  }
0x3c: {  	p2 =	seq.s32 s10, $0x1;
	s10 =	sld [smem:$0x3FB9]  }
0x3d: {  	_ =	shalt  }
0x3e: {  	_ =	shalt  }
0x3f: {  	_ =	shalt  }
0x40: {  	_ =	shalt  }
0x41: {  	_ =	shalt  }
0x42: {  	_ =	shalt  }
0x43: {  	_ =	shalt  }
0x44: {  	_ =	shalt  }
0x45: {  	_ =	shalt  }
0x46: {  	_ =	shalt  }
0x47: {  	_ =	shalt  }
0x48: {  	_ =	shalt  }
0x49: {  	_ =	shalt  }
0x4a: {  	_ =	shalt  }
0x4b: {  	_ =	shalt  }
0x4c: {  	_ =	shalt  }
0x4d: {  	_ =	shalt  }
0x4e: {  	_ =	shalt  }
0x4f: {  	_ =	shalt  }
0x50: {  	_ =	shalt  }
0x51: {  	_ =	shalt  }
0x52: {  	_ =	shalt  }
0x53: {  	_ =	shalt  }
0x54: {  	_ =	shalt  }
0x55: {  	_ =	shalt  }
0x56: {  	_ =	shalt  }
0x57: {  	_ =	shalt  }
0x58: {  	_ =	shalt  }
0x59: {  	_ =	shalt  }
0x5a: {  	_ =	shalt  }
0x5b: {  	_ =	shalt  }
0x5c: {  	_ =	shalt  }
0x5d: {  	_ =	shalt  }
0x5e: {  	_ =	shalt  }
0x5f: {  	_ =	shalt  }
0x60: {  	_ =	shalt  }
0x61: {  	_ =	shalt  }
0x62: {  	_ =	shalt  }
0x63: {  	_ =	shalt  }
0x64: {  	_ =	shalt  }
0x65: {  	_ =	shalt  }
0x66: {  	_ =	shalt  }
0x67: {  	_ =	shalt  }
0x68: {  	_ =	shalt  }
0x69: {  	_ =	shalt  }
0x6a: {  	_ =	shalt  }
0x6b: {  	_ =	shalt  }
0x6c: {  	_ =	shalt  }
0x6d: {  	_ =	shalt  }
0x6e: {  	_ =	shalt  }
0x6f: {  	_ =	shalt  }
0x70: {  	_ =	shalt  }
0x71: {  	_ =	shalt  }
0x72: {  	_ =	shalt  }
0x73: {  	_ =	shalt  }
0x74: {  	_ =	shalt  }
0x75: {  	_ =	shalt  }
0x76: {  	_ =	shalt  }
0x77: {  	_ =	shalt  }
0x78: {  	_ =	shalt  }
0x79: {  	_ =	shalt  }
0x7a: {  	_ =	shalt  }
0x7b: {  	_ =	shalt  }
0x7c: {  	_ =	shalt  }
0x7d: {  	_ =	shalt  }
0x7e: {  	_ =	shalt  }
0x7f: {  	_ =	shalt  }
0x80: {  	_ =	shalt  }
0x81: {  	_ =	shalt  }
0x82: {  	_ =	shalt  }
0x83: {  	_ =	shalt  }
0x84: {  	_ =	shalt  }
0x85: {  	_ =	shalt  }
0x86: {  	_ =	shalt  }
0x87: {  	_ =	shalt  }
.Lfunc_end0:
.L_simem_size_0:
called_computation_lowered:
.L_overlay_start_0:
0x88: {  	s2 =	sld [smem:$0x3FD9]  }
0x89: {  	s3 =	sld [smem:$0x3FFE];
	_ =	sdelay $0x1  }
0x8a: {  	s1 =	srdreg.scid  }
0x8b: {  	s0 =	sand.u32 $0x1, s1  }
0x8c: {  	s17 =	sshll.u32 s0, $0xA;
	s2 =	sadd.s32 s3, s2  }
0x8d: {  	s2 =	sadd.s32 s2, s17  }
0x8e: {  	[smem:$0x3FC5] =	sst s2  }
0x8f: {  	_ = 	snop  }
0x90: {  	s2 =	sld [smem:$0x3FC7]  }
0x91: {  	s18 =	sld [smem:$0x3FD0];
	(tm) =	ssettm $0x1  }
0x92: {  	s4 =	sld [smem:$0x3FFB];
	_ =	sdelay $0x3  }
0x93: {  	_ =	strace s4  }
0x94: {  	s4 =	sld [smem:$0x3FFC];
	_ =	sdelay $0x3  }
0x95: {  	_ =	strace s4  }
0x96: {  	s4 =	sld [smem:$0x3FFD];
	_ =	sdelay $0x3  }
0x97: {  	_ =	strace s4  }
0x98: {  	_ =	strace $0x8FFFFFFF  }
0x99: {  	s19 =	sld [smem:$0x3FDB];
	_ =	sdelay $0x1  }
0x9a: {  	s5 =	simm.s32 $_scs_section_size  }
0x9b: {  	s6 =	simm.s32 $_size__tile_overlayer_lowered;
	s7 =	simm.s32 $_tile_overlayer_lowered  }
0x9c: {  	s22 =	simm.s32 $0x1BFF;
	s21 =	sshll.u32 s7, $0x1;
	s4 =	sadd.s32 s5, s19  }
0x9d: {  	s8 =	simm.s32 $0x0;
	s20 =	sshll.u32 s6, $0x1;
	s6 =	sadd.s32 s21, s4  }
0x9e: {  	[timem:s8], [sflag:s22] =	dma.local [hbm:s6], s20  }
0x9f: {  	_ =	swait.ge [sflag:s22], s20  }
0xa0: {  	s5 =	ssub.s32 $0x0, s20;
	[sflag:s22] =	ssyncset.done $0x0  }
0xa1: {  	[sflag:s22] =	ssyncadd.s32 s5;
	_ =	sdelay $0x1  }
0xa2: {  	s23 =	simm.s32 $0x1B8B  }
0xa3: {  	_ =	swait.ge [sflag:s23], $0x1  }
0xa4: {  	[sflag:s23] =	ssyncset.done $0x0  }
0xa5: {  	s25 =	simm.s32 $0x1B8E;
	s24 =	sld [smem:$0x3FFE];
	[sflag:s23] =	ssyncadd.s32 $0xFFFFFFFF  }
0xa6: {  	s26 =	simm.s32 $execute0_lowered;
	[smem:$0x3FD2] =	sst s25  }
0xa7: {  	s6 =	sshll.u32 s26, $0x1;
	_ =	strace $0x80000046;
	[dreg:$0x1] =	wrdreg $0xFFFFFFFF  }
0xa8: {  	s28 =	simm.s32 $_size_execute0_lowered;
	s4 =	sadd.s32 s4, s6;
	[dreg:$0x0] =	wrdreg $0x0  }
0xa9: {  	s6 =	sshll.u32 s28, $0x1;
	[dreg:$0x2] =	wrdreg s4  }
0xaa: {  	[dreg:$0x3] =	wrdreg s6  }
0xab: {  	[dreg:$0x4] =	wrdreg $0xC0  }
0xac: {  	_ =	task [dreg:s8], $0x5FFFF  }
0xad: {  	[dreg:$0x1] =	wrdreg $0xFFFFFFFF  }
0xae: {  	[dreg:$0x0] =	wrdreg $0x60  }
0xaf: {  	[dreg:$0x2] =	wrdreg s2  }
0xb0: {  	[dreg:$0x3] =	wrdreg s24  }
0xb1: {  	[dreg:$0x4] =	wrdreg s18  }
0xb2: {  	[dreg:$0x5] =	wrdreg $0x9  }
0xb3: {  	_ =	task.clear_ibuf [dreg:s8], $0x6FFFF;
	_ =	strace $0x90000046  }
0xb4: {  	s29 =	simm.s32 $0x9;
	_ =	strace $0x80000048  }
0xb5: {  	_ =	swait.ge [sflag:s29], $0x1  }
0xb6: {  	[sflag:s29] =	ssyncadd.s32 $0xFFFFFFFF  }
0xb7: {  	_ =	strace $0x90000048  }
0xb8: {  	_ =	sfence  }
0xb9: {  	s30 =	sld [smem:$0x0];
	_ =	sdelay $0x2  }
0xba: {  	s31 =	sshll.u32 s1, $0xD;
	s1 =	sshrl.u32 s1, $0x2  }
0xbb: {  	s3 =	sand.u32 $0x4000, s31;
	s1 =	sadd.s32 s1, s30  }
0xbc: {  	s0 =	sor.u32 s3, s0;
	s1 =	sshll.u32 s1, $0x11  }
0xbd: {  	s0 =	sor.u32 s1, s0  }
0xbe: {  	s0 =	sadd.s32 $0x8F2B, s0  }
0xbf: {  	[sflag:s0] =	ssyncadd.remote.s32 $0x1  }
0xc0: {  	_ =	sfence.sel $0xFFFF  }
0xc1: {  	[dreg:$0x0] =	wrdreg $0xFFFFFFFF;
	(pc) =	sbr.abs _section_cstart, $3  }
0xc2: {  	[dreg:$0x1] =	wrdreg $0xFFFFFFFF  }
0xc3: {  	_ =	task.clear_ibuf [dreg:s8], $0x2FFFF;
	_ =	strace $0x9FFFFFFF  }
0xc4: {  	(tm) =	ssettm $0x7FFFFFFF  }
0xc5: {  	_ =	shalt  }
tec
execute0_lowered:
.L_overlay_start_1:
0x0: {  	(tag) =	ssettag $0x1  }
0x1: {  	s1 =	rddreg [dreg:$0x0];
	s2 =	srdreg.scid  }
0x2: {  	s0 =	stileid.u32;
	s4 =	rddreg [dreg:$0x1]  }
0x3: {  	s6 =	rddreg [dreg:$0x2];
	s3 =	simm.s32 $0x0;
	s10 =	simm.s32 $0x1100  }
0x4: {  	s11 =	simm.s32 $0x1900;
	s12 =	simm.s32 $0x2100;
	s13 =	simm.s32 $0x2900  }
0x5: {  	s14 =	simm.s32 $0x3100;
	s15 =	simm.s32 $0x3900;
	s16 =	simm.s32 $0x4100  }
0x6: {  	s17 =	simm.s32 $0x4900;
	s18 =	simm.s32 $0x5100;
	s19 =	simm.s32 $0x5900  }
0x7: {  	s20 =	simm.s32 $0x6100;
	s21 =	simm.s32 $0x6900;
	s22 =	simm.s32 $0x7100  }
0x8: {  	s23 =	simm.s32 $0x7900;
	s5 =	sand.u32 $0x1, s2;
	s31 =	sshll.u32 s0, $0x1  }
0x9: {  	s24 =	simm.s32 $0x8100;
	s25 =	simm.s32 $0x8900;
	s7 =	sor.u32 s5, s31  }
0xa: {  	s26 =	simm.s32 $0x1;
	s5 =	ssub.s32 $0x2, s5;
	s8 =	smul.u32 $0x12, s7  }
0xb: {  	[smem:$0x7FF] =	sst s3;
	s7 =	smul.u32 $0x1200, s7;
	s9 =	sshrl.u32 s5, $0x1  }
0xc: {  	v2 =	vlaneseq.u32;
	s2 =	rddreg [dreg:$0x3];
	_ =	strace $0x80000047;
	s9 =	ssub.s32 s5, s9  }
0xd: {  	vm0 =	vmmov $0xffff;
	v1 =	vshrl.u32 v2, $0x3;
	s4 =	sadd.s32 s4, s8;
	s5 =	sadd.s32 s6, s7;
	s6 =	smax.u32 s9, $0x1  }
0xe: {  	v0 =	vand.u32 $0x7, v2;
	v2 =	vor.u32 $0x8, v2;
	v1 =	vmul.u32 $0x8, v1;
	s7 =	simm.s32 $0x2;
	s8 =	simm.s32 $0x100;
	s9 =	simm.s32 $0x900  }
.LBB2_1:
0xf: {  	[tilespmem:s3], [sflag:$0x2] =	stream.linear.gather [hbm4b:s4+s3], $0x90, $0x38;
	[tilespmem:$0x9100] =	vst v63  }
0x10: {  	_ =	swait.ge [sflag:s7], $0x90  }
0x11: {  	[sflag:s7] =	ssyncset.done $0x0  }
0x12: {  	[sflag:s7] =	ssyncadd.s32 $0xFFFFFF70  }
0x13: {  	v3 =	vld [tilespmem:$0x0];
	_ =	sdelay $0x4  }
0x14: {  	v4 =	vshll.u32 v3, $0x1  }
0x15: {  	v3 =	vand.u32 $0x7, v3;
	v4 =	vand.u32 $0xFFFFFFF0, v4  }
0x16: {  	v3 =	vor.u32 v3, v4  }
0x17: {  	v4 =	vperm.xlane v3, v0;
	_ =	sdelay $0x1  }
0x18: {  	v3 =	vperm.xlane v3, v2;
	v4 =	vadd.s32 v1, v4;
	_ =	sdelay $0x1  }
0x19: {  	v3 =	vadd.s32 v1, v3;
	_ =	sdelay $0x2  }
0x1a: {  	[tilespmem:s8], [sflag:$0x1] =	stream.indirect_vreg.gather [hbm4b:s1+s3], $0x80, v4, vm0, $0xb8;
	[tilespmem:$0x9100] =	vst v63  }
0x1b: {  	_ = 	snop  }
0x1c: {  	[tilespmem:s9], [sflag:$0x1] =	stream.indirect_vreg.gather [hbm4b:s1+s3], $0x80, v3, vm0, $0xb8;
	[tilespmem:$0x9100] =	vst v63  }
0x1d: {  	v3 =	vld [tilespmem:$0x10];
	_ =	sdelay $0x4  }
0x1e: {  	v56 =	vshll.u32 v3, $0x1  }
0x1f: {  	v3 =	vand.u32 $0x7, v3;
	v4 =	vand.u32 $0xFFFFFFF0, v56  }
0x20: {  	v3 =	vor.u32 v3, v4  }
0x21: {  	v4 =	vperm.xlane v3, v0;
	_ =	sdelay $0x1  }
0x22: {  	v3 =	vperm.xlane v3, v2;
	v4 =	vadd.s32 v1, v4;
	_ =	sdelay $0x1  }
0x23: {  	v3 =	vadd.s32 v1, v3;
	_ =	sdelay $0x2  }
0x24: {  	[tilespmem:s10], [sflag:$0x1] =	stream.indirect_vreg.gather [hbm4b:s1+s3], $0x80, v4, vm0, $0xb8;
	[tilespmem:$0x9100] =	vst v63  }
0x25: {  	_ = 	snop  }
0x26: {  	[tilespmem:s11], [sflag:$0x1] =	stream.indirect_vreg.gather [hbm4b:s1+s3], $0x80, v3, vm0, $0xb8;
	[tilespmem:$0x9100] =	vst v63  }
0x27: {  	v3 =	vld [tilespmem:$0x20];
	_ =	sdelay $0x4  }
0x28: {  	v57 =	vshll.u32 v3, $0x1  }
0x29: {  	v3 =	vand.u32 $0x7, v3;
	v4 =	vand.u32 $0xFFFFFFF0, v57  }
0x2a: {  	v3 =	vor.u32 v3, v4  }
0x2b: {  	v4 =	vperm.xlane v3, v0;
	_ =	sdelay $0x1  }
0x2c: {  	v3 =	vperm.xlane v3, v2;
	v4 =	vadd.s32 v1, v4;
	_ =	sdelay $0x1  }
0x2d: {  	v3 =	vadd.s32 v1, v3;
	_ =	sdelay $0x2  }
0x2e: {  	[tilespmem:s12], [sflag:$0x1] =	stream.indirect_vreg.gather [hbm4b:s1+s3], $0x80, v4, vm0, $0xb8;
	[tilespmem:$0x9100] =	vst v63  }
0x2f: {  	_ = 	snop  }
0x30: {  	[tilespmem:s13], [sflag:$0x1] =	stream.indirect_vreg.gather [hbm4b:s1+s3], $0x80, v3, vm0, $0xb8;
	[tilespmem:$0x9100] =	vst v63  }
0x31: {  	v3 =	vld [tilespmem:$0x30];
	_ =	sdelay $0x4  }
0x32: {  	v58 =	vshll.u32 v3, $0x1  }
0x33: {  	v3 =	vand.u32 $0x7, v3;
	v4 =	vand.u32 $0xFFFFFFF0, v58  }
0x34: {  	v3 =	vor.u32 v3, v4  }
0x35: {  	v4 =	vperm.xlane v3, v0;
	_ =	sdelay $0x1  }
0x36: {  	v3 =	vperm.xlane v3, v2;
	v4 =	vadd.s32 v1, v4;
	_ =	sdelay $0x1  }
0x37: {  	v3 =	vadd.s32 v1, v3;
	_ =	sdelay $0x2  }
0x38: {  	[tilespmem:s14], [sflag:$0x1] =	stream.indirect_vreg.gather [hbm4b:s1+s3], $0x80, v4, vm0, $0xb8;
	[tilespmem:$0x9100] =	vst v63  }
0x39: {  	_ = 	snop  }
0x3a: {  	[tilespmem:s15], [sflag:$0x1] =	stream.indirect_vreg.gather [hbm4b:s1+s3], $0x80, v3, vm0, $0xb8;
	[tilespmem:$0x9100] =	vst v63  }
0x3b: {  	v3 =	vld [tilespmem:$0x40];
	_ =	sdelay $0x4  }
0x3c: {  	v59 =	vshll.u32 v3, $0x1  }
0x3d: {  	v3 =	vand.u32 $0x7, v3;
	v4 =	vand.u32 $0xFFFFFFF0, v59  }
0x3e: {  	v3 =	vor.u32 v3, v4  }
0x3f: {  	v4 =	vperm.xlane v3, v0;
	_ =	sdelay $0x1  }
0x40: {  	v3 =	vperm.xlane v3, v2;
	v4 =	vadd.s32 v1, v4;
	_ =	sdelay $0x1  }
0x41: {  	v3 =	vadd.s32 v1, v3;
	_ =	sdelay $0x2  }
0x42: {  	[tilespmem:s16], [sflag:$0x1] =	stream.indirect_vreg.gather [hbm4b:s1+s3], $0x80, v4, vm0, $0xb8;
	[tilespmem:$0x9100] =	vst v63  }
0x43: {  	_ = 	snop  }
0x44: {  	[tilespmem:s17], [sflag:$0x1] =	stream.indirect_vreg.gather [hbm4b:s1+s3], $0x80, v3, vm0, $0xb8;
	[tilespmem:$0x9100] =	vst v63  }
0x45: {  	v3 =	vld [tilespmem:$0x50];
	_ =	sdelay $0x4  }
0x46: {  	v60 =	vshll.u32 v3, $0x1  }
0x47: {  	v3 =	vand.u32 $0x7, v3;
	v4 =	vand.u32 $0xFFFFFFF0, v60  }
0x48: {  	v3 =	vor.u32 v3, v4  }
0x49: {  	v4 =	vperm.xlane v3, v0;
	_ =	sdelay $0x1  }
0x4a: {  	v3 =	vperm.xlane v3, v2;
	v4 =	vadd.s32 v1, v4;
	_ =	sdelay $0x1  }
0x4b: {  	v3 =	vadd.s32 v1, v3;
	_ =	sdelay $0x2  }
0x4c: {  	[tilespmem:s18], [sflag:$0x1] =	stream.indirect_vreg.gather [hbm4b:s1+s3], $0x80, v4, vm0, $0xb8;
	[tilespmem:$0x9100] =	vst v63  }
0x4d: {  	_ = 	snop  }
0x4e: {  	[tilespmem:s19], [sflag:$0x1] =	stream.indirect_vreg.gather [hbm4b:s1+s3], $0x80, v3, vm0, $0xb8;
	[tilespmem:$0x9100] =	vst v63  }
0x4f: {  	v3 =	vld [tilespmem:$0x60];
	_ =	sdelay $0x4  }
0x50: {  	v61 =	vshll.u32 v3, $0x1  }
0x51: {  	v3 =	vand.u32 $0x7, v3;
	v4 =	vand.u32 $0xFFFFFFF0, v61  }
0x52: {  	v3 =	vor.u32 v3, v4  }
0x53: {  	v4 =	vperm.xlane v3, v0;
	_ =	sdelay $0x1  }
0x54: {  	v3 =	vperm.xlane v3, v2;
	v4 =	vadd.s32 v1, v4;
	_ =	sdelay $0x1  }
0x55: {  	v3 =	vadd.s32 v1, v3;
	_ =	sdelay $0x2  }
0x56: {  	[tilespmem:s20], [sflag:$0x1] =	stream.indirect_vreg.gather [hbm4b:s1+s3], $0x80, v4, vm0, $0xb8;
	[tilespmem:$0x9100] =	vst v63  }
0x57: {  	_ = 	snop  }
0x58: {  	[tilespmem:s21], [sflag:$0x1] =	stream.indirect_vreg.gather [hbm4b:s1+s3], $0x80, v3, vm0, $0xb8;
	[tilespmem:$0x9100] =	vst v63  }
0x59: {  	v3 =	vld [tilespmem:$0x70];
	_ =	sdelay $0x4  }
0x5a: {  	v62 =	vshll.u32 v3, $0x1  }
0x5b: {  	v3 =	vand.u32 $0x7, v3;
	v4 =	vand.u32 $0xFFFFFFF0, v62  }
0x5c: {  	v3 =	vor.u32 v3, v4  }
0x5d: {  	v4 =	vperm.xlane v3, v0;
	_ =	sdelay $0x1  }
0x5e: {  	v3 =	vperm.xlane v3, v2;
	v4 =	vadd.s32 v1, v4;
	_ =	sdelay $0x1  }
0x5f: {  	v3 =	vadd.s32 v1, v3;
	_ =	sdelay $0x2  }
0x60: {  	[tilespmem:s22], [sflag:$0x1] =	stream.indirect_vreg.gather [hbm4b:s1+s3], $0x80, v4, vm0, $0xb8;
	[tilespmem:$0x9100] =	vst v63  }
0x61: {  	_ = 	snop  }
0x62: {  	[tilespmem:s23], [sflag:$0x1] =	stream.indirect_vreg.gather [hbm4b:s1+s3], $0x80, v3, vm0, $0xb8;
	[tilespmem:$0x9100] =	vst v63  }
0x63: {  	v3 =	vld [tilespmem:$0x80];
	_ =	sdelay $0x4  }
0x64: {  	v63 =	vshll.u32 v3, $0x1  }
0x65: {  	v3 =	vand.u32 $0x7, v3;
	v4 =	vand.u32 $0xFFFFFFF0, v63  }
0x66: {  	v3 =	vor.u32 v3, v4  }
0x67: {  	v4 =	vperm.xlane v3, v0;
	_ =	sdelay $0x1  }
0x68: {  	v3 =	vperm.xlane v3, v2;
	v4 =	vadd.s32 v1, v4;
	_ =	sdelay $0x1  }
0x69: {  	v3 =	vadd.s32 v1, v3;
	_ =	sdelay $0x2  }
0x6a: {  	[tilespmem:s24], [sflag:$0x1] =	stream.indirect_vreg.gather [hbm4b:s1+s3], $0x80, v4, vm0, $0xb8;
	[tilespmem:$0x9100] =	vst v63  }
0x6b: {  	_ = 	snop  }
0x6c: {  	[tilespmem:s25], [sflag:$0x1] =	stream.indirect_vreg.gather [hbm4b:s1+s3], $0x80, v3, vm0, $0xb8;
	[tilespmem:$0x9100] =	vst v63  }
0x6d: {  	_ =	swait.ge [sflag:s26], $0x9000  }
0x6e: {  	p0 =	sne.s32 s6, $0x1;
	[sflag:s26] =	ssyncset.done $0x0  }
.Ltmp0:
0x6f: {  	[sflag:s26] =	ssyncadd.s32 $0xFFFF7000;
	(pc) =	sbr.rel @p0 .LBB2_1-.Ltmp0, $4  }
0x70: {  	[hbm4b:s5+s3] =	stream.linear.scatter [tilespmem:s8], [sflag:$0x2], $0x9000, $0x38;
	[tilespmem:$0x9100] =	vst v63  }
0x71: {  	_ =	swait.ge [sflag:s7], $0x9000  }
0x72: {  	[sflag:s7] =	ssyncset.done $0x0  }
0x73: {  	s6 =	sadd.s32 $0xFFFFFFFF, s6;
	[sflag:s7] =	ssyncadd.s32 $0xFFFF7000  }
0x74: {  	_ =	sfence.sel $0x180000  }
0x75: {  	[bflag:$0x0] =	sbarrier.arrive $0xFFFF  }
0x76: {  	p0 =	sne.s32 s0, $0x0;
	_ =	strace $0x90000047  }
0x77: {  	s0 =	sadd.s32 @!p0 $0x100000, s2;
	[bflag:$0x2] =	sbarrier.arrive $0xFFFF  }
0x78: {  	[sflag:s0] =	ssyncadd.tile.s32 @!p0 $0x1;
	_ =	shalt  }
.Lfunc_end2:
_tile_overlayer_lowered:
.L_overlay_start_2:
0x79: {  	(tag) =	ssettag $0x2  }
0x7a: {  	s0 =	rddreg [dreg:$0x0];
	s2 =	stileid.u32  }
0x7b: {  	s1 =	rddreg [dreg:$0x1];
	p0 =	sne.s32 s2, $0x0  }
0x7c: {  	s3 =	rddreg [dreg:$0x2];
	[bflag:$0x3] =	sbarrier.arrive $0xFFFF;
	s2 =	simm.s32 @!p0 $0x1C02  }
0x7d: {  	[timem:s3], [sflag:s2] =	dma.local @!p0 [hbm:s0], s1  }
0x7e: {  	s0 =	simm.s32 @!p0 $0x2  }
0x7f: {  	_ =	swait.ge @!p0 [sflag:s0], s1  }
0x80: {  	s1 =	ssub.s32 @!p0 $0x0, s1;
	[sflag:s0] =	ssyncset.done @!p0 $0x0  }
0x81: {  	[sflag:s0] =	ssyncadd.s32 @!p0 s1  }
0x82: {  	[bflag:$0x3] =	sbarrier.arrive $0xFFFF  }
0x83: {  	_ =	shalt  }

</sc_bundles>
